<compile_context>
chip_gen: v7x
topology: tpu7x:2x2x1
jax: 0.10.2.dev20260603
libtpu: 0.0.44.dev20260713+nightly
codegen_flags: <defaults>
</compile_context>

<pallas_src>
import functools

import jax
import jax.numpy as jnp
import numpy as np
from jax import lax
from jax.experimental import pallas as pl
from jax.experimental.pallas import tpu as pltpu
from jax.experimental.pallas import tpu_sc as plsc

_NUM = 16


def _tf2x32_block(k1, k2, x0, x1):
    r0 = (13, 15, 26, 6)
    r1 = (17, 29, 16, 24)

    def rotl(x, d):
        return ((x << np.uint32(d)) | (x >> np.uint32(32 - d))).astype(
            np.uint32)

    def rounds(x, rots):
        for r in rots:
            a = (x[0] + x[1]).astype(np.uint32)
            b = (a ^ rotl(x[1], r)).astype(np.uint32)
            x = [a, b]
        return x

    ks = [k1, k2, np.uint32(k1 ^ k2 ^ np.uint32(0x1BD11BDA))]
    x = [(x0 + ks[0]).astype(np.uint32), (x1 + ks[1]).astype(np.uint32)]
    for i in range(5):
        x = rounds(x, r0 if i % 2 == 0 else r1)
        x = [(x[0] + ks[(i + 1) % 3]).astype(np.uint32),
             (x[1] + ks[(i + 2) % 3] + np.uint32(i + 1)).astype(np.uint32)]
    return x


def _tf_fold_in(key, d):
    seed = np.array([(d >> 32) & 0xFFFFFFFF, d & 0xFFFFFFFF], np.uint32)
    y0, y1 = _tf2x32_block(key[0], key[1], seed[:1], seed[1:])
    return np.concatenate([y0, y1])


def _np_permutation(key, n):
    num_rounds = max(1, int(np.ceil(3 * np.log(max(1, n)) /
                                    np.log(np.iinfo(np.uint32).max))))
    x = np.arange(n, dtype=np.int32)
    for _ in range(num_rounds):
        b1, b2 = _tf2x32_block(key[0], key[1], np.zeros(2, np.uint32),
                               np.arange(2, dtype=np.uint32))
        key, sub = np.stack([b1, b2], axis=1)
        s1, s2 = _tf2x32_block(sub[0], sub[1], np.zeros(n, np.uint32),
                               np.arange(n, dtype=np.uint32))
        x = x[np.argsort((s1 ^ s2).astype(np.uint32), kind="stable")]
    return x


@functools.lru_cache(maxsize=None)
def _pools(h, w):
    key1 = np.array([0, 1], np.uint32)
    pool_x = _np_permutation(_tf_fold_in(key1, 0), h)
    pool_y = _np_permutation(_tf_fold_in(key1, 1), w)
    return pool_x, pool_y


def _make_sc_kernel(b, c, h, w, planes_per_worker):
    mesh = plsc.VectorSubcoreMesh(core_axis_name="c", subcore_axis_name="s")
    nc = plsc.get_sparse_core_info().num_cores
    pw = planes_per_worker

    @functools.partial(
        pl.kernel,
        out_type=jax.ShapeDtypeStruct((b, c, h, w), jnp.float32),
        mesh=mesh,
        compiler_params=pltpu.CompilerParams(needs_layout_passes=False),
        scratch_types=[
            pltpu.VMEM((h, w), jnp.float32),
            pltpu.VMEM((h, w), jnp.float32),
            pltpu.VMEM((4, _NUM), jnp.int32),
            pltpu.SemaphoreType.DMA,
            pltpu.SemaphoreType.DMA,
            pltpu.SemaphoreType.DMA,
            pltpu.SemaphoreType.DMA,
        ],
    )
    def sc_kernel(x_hbm, idx_hbm, out_hbm, buf0, buf1, idx_v,
                  rsem0, rsem1, wsem0, wsem1):
        wid = lax.axis_index("s") * nc + lax.axis_index("c")
        base = wid * pw
        pltpu.sync_copy(idx_hbm, idx_v)
        pxv = idx_v[0, :]
        pyv = idx_v[1, :]
        sxv = idx_v[2, :]
        syv = idx_v[3, :]
        bufs = (buf0, buf1)
        rsems = (rsem0, rsem1)
        wsems = (wsem0, wsem1)

        def read_cp(p, k):
            pi = base + p
            return pltpu.make_async_copy(
                x_hbm.at[pi // c, pi % c], bufs[k], rsems[k])

        def write_cp(p, k):
            pi = base + p
            return pltpu.make_async_copy(
                bufs[k], out_hbm.at[pi // c, pi % c], wsems[k])

        def fix_and_write(p, k):
            read_cp(p, k).wait()
            vals = plsc.load_gather(bufs[k], [sxv, syv])
            plsc.store_scatter(bufs[k], [pxv, pyv], vals)
            write_cp(p, k).start()

        read_cp(0, 0).start()
        read_cp(1, 1).start()

        @pl.loop(0, pw - 2, step=2)
        def _body(p):
            fix_and_write(p, 0)
            write_cp(p, 0).wait()
            read_cp(p + 2, 0).start()
            fix_and_write(p + 1, 1)
            write_cp(p + 1, 1).wait()
            read_cp(p + 3, 1).start()

        fix_and_write(pw - 2, 0)
        write_cp(pw - 2, 0).wait()
        fix_and_write(pw - 1, 1)
        write_cp(pw - 1, 1).wait()

    return sc_kernel


def kernel(x):
    b, c, h, w = x.shape
    pool_x, pool_y = _pools(h, w)
    px = jnp.asarray(pool_x[:_NUM])
    py = jnp.asarray(pool_y[:_NUM])
    sx = pool_x[-_NUM:]
    sy = pool_y[-_NUM:]
    idx = jnp.asarray(
        np.stack([pool_x[:_NUM], pool_y[:_NUM], sx, sy]).astype(np.int32))

    p = b * c
    info = plsc.get_sparse_core_info()
    nw = info.num_cores * info.num_subcores
    assert p % nw == 0 and (p // nw) % 2 == 0 and p // nw >= 4
    out = _make_sc_kernel(b, c, h, w, p // nw)(x, idx)
    return out, (px, py)

# --- scband reference (transcript-rebuilt; emitter-appended) ---
"""Pipeline reference for scband-mask-and-replace-12275016532330 (READ-ONLY COPY).

The authoritative reference and input builder live on the scoring server;
editing this copy changes nothing except your own understanding.
"""

import jax, jax.numpy as jnp
import numpy as np

NUM = 16

def setup_inputs(seed: int = 0) -> dict:
    key = jax.random.key(seed)
    x = jax.random.normal(key, (8, 96, 224, 224), dtype=jnp.float32)
    return {"x": x}

def reference(x):
    # Faithful translation of _MaskAndReplace.forward in training mode.
    # torch.randperm -> jax.random.permutation with fixed keys (deterministic stand-in).
    H = x.shape[-2]
    W = x.shape[-1]
    kx = jax.random.fold_in(jax.random.key(1), 0)
    ky = jax.random.fold_in(jax.random.key(1), 1)
    pool_x = jax.random.permutation(kx, H)
    pool_y = jax.random.permutation(ky, W)
    px = pool_x[:NUM]
    py = pool_y[:NUM]
    src_x = pool_x[-NUM:]
    src_y = pool_y[-NUM:]
    # mask = ones_like(x); mask[:, :, px, py] = 0
    mask = jnp.ones_like(x).at[:, :, px, py].set(0.0)
    x = x * mask
    # gather source pixels, scatter-overwrite into masked locations
    src = x[:, :, src_x, src_y]                 # gather -> [B, C, NUM]
    x = x.at[:, :, px, py].set(src)             # scatter-overwrite
    loc = (px, py)
    return (x, loc)

if __name__ == "__main__":
    import jax
    _d = setup_inputs()
    print(jax.jit(kernel)(*tuple(_d.values())))

</pallas_src>

<mosaic_0001>
#map = affine_map<(d0, d1) -> (0, 0, 0, 0)>
#map1 = affine_map<(d0, d1) -> (0, 0)>
module attributes {stable_mosaic.version = 14 : i64} {
  func.func @sc_kernel(%arg0: i32, %arg1: i32, %arg2: memref<8x96x224x224xf32, #tpu.memory_space<hbm>>, %arg3: memref<4x16xi32, #tpu.memory_space<hbm>>, %arg4: memref<8x96x224x224xf32, #tpu.memory_space<hbm>>, %arg5: memref<224x224xf32, #tpu.memory_space<vmem>>, %arg6: memref<224x224xf32, #tpu.memory_space<vmem>>, %arg7: memref<4x16xi32, #tpu.memory_space<vmem>>, %arg8: memref<!tpu.dma_semaphore, #tpu.memory_space<semaphore_mem>>, %arg9: memref<!tpu.dma_semaphore, #tpu.memory_space<semaphore_mem>>, %arg10: memref<!tpu.dma_semaphore, #tpu.memory_space<semaphore_mem>>, %arg11: memref<!tpu.dma_semaphore, #tpu.memory_space<semaphore_mem>>) attributes {dimension_semantics = [#tpu.dimension_semantics<core_parallel>, #tpu.dimension_semantics<subcore_parallel>], iteration_bounds = array<i64: 2, 16>, scalar_prefetch = 0 : i64, scratch_operands = 7 : i64, tpu.core_type = #tpu.core_type<sc_vector_subcore>, window_params = [{transform_indices = #map}, {transform_indices = #map1}, {transform_indices = #map}]} {
    %mul3A = arith.constant 2 : i32
    %mul3A_0 = arith.muli %arg1, %mul3A : i32
    %add3A = arith.addi %mul3A_0, %arg0 : i32
    %mul3A_1 = arith.constant 24 : i32
    %mul3A_2 = arith.muli %add3A, %mul3A_1 : i32
    "tpu.region"() ({
      %run_scoped3A = tpu.sem_alloc : memref<!tpu.dma_semaphore, #tpu.memory_space<semaphore_mem>>
      tpu.enqueue_dma source(%arg3 : memref<4x16xi32, #tpu.memory_space<hbm>>) target(%arg7 : memref<4x16xi32, #tpu.memory_space<vmem>>) target_semaphore(%run_scoped3A : memref<!tpu.dma_semaphore, #tpu.memory_space<semaphore_mem>>)
      tpu.wait_dma2 semaphore(%run_scoped3A : memref<!tpu.dma_semaphore, #tpu.memory_space<semaphore_mem>>) src(%arg3 : memref<4x16xi32, #tpu.memory_space<hbm>>) dst(%arg7 : memref<4x16xi32, #tpu.memory_space<vmem>>)
      tpu.yield
    }) : () -> ()
    %get3A = arith.constant 0 : i32
    %get3A_3 = arith.index_cast %get3A : i32 to index
    %get3A_4 = arith.constant 0 : index
    %get3A_5 = tpu.vector_load %arg7[%get3A_3, %get3A_4] {strides = array<i32>} : memref<4x16xi32, #tpu.memory_space<vmem>>, vector<16xi32>,
    %get3A_6 = arith.constant 1 : i32
    %get3A_7 = arith.index_cast %get3A_6 : i32 to index
    %get3A_8 = arith.constant 0 : index
    %get3A_9 = tpu.vector_load %arg7[%get3A_7, %get3A_8] {strides = array<i32>} : memref<4x16xi32, #tpu.memory_space<vmem>>, vector<16xi32>,
    %get3A_10 = arith.constant 2 : i32
    %get3A_11 = arith.index_cast %get3A_10 : i32 to index
    %get3A_12 = arith.constant 0 : index
    %get3A_13 = tpu.vector_load %arg7[%get3A_11, %get3A_12] {strides = array<i32>} : memref<4x16xi32, #tpu.memory_space<vmem>>, vector<16xi32>,
    %get3A_14 = arith.constant 3 : i32
    %get3A_15 = arith.index_cast %get3A_14 : i32 to index
    %get3A_16 = arith.constant 0 : index
    %get3A_17 = tpu.vector_load %arg7[%get3A_15, %get3A_16] {strides = array<i32>} : memref<4x16xi32, #tpu.memory_space<vmem>>, vector<16xi32>,
    %add3A_18 = arith.constant 0 : i32
    %add3A_19 = arith.addi %mul3A_2, %add3A_18 : i32
    %jit3A = arith.constant 96 : i32
    %div3A = arith.divsi %add3A_19, %jit3A : i32
    %sign3A = arith.constant 0 : i32
    %sign3A_20 = arith.cmpi sgt, %add3A_19, %sign3A : i32
    %sign3A_21 = arith.extui %sign3A_20 : i1 to i32
    %sign3A_22 = arith.constant 0 : i32
    %sign3A_23 = arith.cmpi slt, %add3A_19, %sign3A_22 : i32
    %sign3A_24 = arith.extui %sign3A_23 : i1 to i32
    %sign3A_25 = arith.subi %sign3A_21, %sign3A_24 : i32
    %sign3A_26 = arith.constant 0 : i32
    %sign3A_27 = arith.cmpi sgt, %jit3A, %sign3A_26 : i32
    %sign3A_28 = arith.extui %sign3A_27 : i1 to i32
    %sign3A_29 = arith.constant 0 : i32
    %sign3A_30 = arith.cmpi slt, %jit3A, %sign3A_29 : i32
    %sign3A_31 = arith.extui %sign3A_30 : i1 to i32
    %sign3A_32 = arith.subi %sign3A_28, %sign3A_31 : i32
    %ne3A = arith.cmpi ne, %sign3A_25, %sign3A_32 : i32
    %rem3A = arith.remsi %add3A_19, %jit3A : i32
    %ne3A_33 = arith.constant 0 : i32
    %ne3A_34 = arith.cmpi ne, %rem3A, %ne3A_33 : i32
    %and3A = arith.andi %ne3A, %ne3A_34 : i1
    %sub3A = arith.constant 1 : i32
    %sub3A_35 = arith.subi %div3A, %sub3A : i32
    %select_n3A = arith.select %and3A, %sub3A_35, %div3A : i32
    %jit3A_36 = arith.constant 96 : i32
    %eq3A = arith.constant 0 : i32
    %eq3A_37 = arith.cmpi eq, %jit3A_36, %eq3A : i32
    %jit3A_38 = arith.constant 1 : i32
    %select_n3A_39 = arith.select %eq3A_37, %jit3A_38, %jit3A_36 : i32
    %rem3A_40 = arith.remsi %add3A_19, %select_n3A_39 : i32
    %ne3A_41 = arith.constant 0 : i32
    %ne3A_42 = arith.cmpi ne, %rem3A_40, %ne3A_41 : i32
    %lt3A = arith.constant 0 : i32
    %lt3A_43 = arith.cmpi slt, %rem3A_40, %lt3A : i32
    %lt3A_44 = arith.constant 0 : i32
    %lt3A_45 = arith.cmpi slt, %select_n3A_39, %lt3A_44 : i32
    %ne3A_46 = arith.xori %lt3A_43, %lt3A_45 : i1
    %and3A_47 = arith.andi %ne3A_46, %ne3A_42 : i1
    %add3A_48 = arith.addi %rem3A_40, %select_n3A_39 : i32
    %select_n3A_49 = arith.select %and3A_47, %add3A_48, %rem3A_40 : i32
    %dma_start3A = arith.constant 0 : i32
    %dma_start3A_50 = arith.constant 0 : i32
    %dma_start3A_51 = tpu.memref_slice %arg2[%select_n3A, %select_n3A_49, %dma_start3A, %dma_start3A_50] : memref<8x96x224x224xf32, #tpu.memory_space<hbm>> -> memref<1x1x224x224xf32, #tpu.memory_space<hbm>>
    %dma_start3A_52 = tpu.memref_squeeze %dma_start3A_51 : memref<1x1x224x224xf32, #tpu.memory_space<hbm>> -> memref<224x224xf32, #tpu.memory_space<hbm>>
    %dma_start3A_53 = arith.constant 0 : i32
    %dma_start3A_54 = arith.constant 0 : i32
    %dma_start3A_55 = tpu.memref_slice %arg2[%select_n3A, %select_n3A_49, %dma_start3A_53, %dma_start3A_54] : memref<8x96x224x224xf32, #tpu.memory_space<hbm>> -> memref<1x1x224x224xf32, #tpu.memory_space<hbm>>
    %dma_start3A_56 = tpu.memref_squeeze %dma_start3A_55 : memref<1x1x224x224xf32, #tpu.memory_space<hbm>> -> memref<224x224xf32, #tpu.memory_space<hbm>>
    tpu.enqueue_dma source(%dma_start3A_56 : memref<224x224xf32, #tpu.memory_space<hbm>>) target(%arg5 : memref<224x224xf32, #tpu.memory_space<vmem>>) target_semaphore(%arg8 : memref<!tpu.dma_semaphore, #tpu.memory_space<semaphore_mem>>)
    %add3A_57 = arith.constant 1 : i32
    %add3A_58 = arith.addi %mul3A_2, %add3A_57 : i32
    %jit3A_59 = arith.constant 96 : i32
    %div3A_60 = arith.divsi %add3A_58, %jit3A_59 : i32
    %sign3A_61 = arith.constant 0 : i32
    %sign3A_62 = arith.cmpi sgt, %add3A_58, %sign3A_61 : i32
    %sign3A_63 = arith.extui %sign3A_62 : i1 to i32
    %sign3A_64 = arith.constant 0 : i32
    %sign3A_65 = arith.cmpi slt, %add3A_58, %sign3A_64 : i32
    %sign3A_66 = arith.extui %sign3A_65 : i1 to i32
    %sign3A_67 = arith.subi %sign3A_63, %sign3A_66 : i32
    %sign3A_68 = arith.constant 0 : i32
    %sign3A_69 = arith.cmpi sgt, %jit3A_59, %sign3A_68 : i32
    %sign3A_70 = arith.extui %sign3A_69 : i1 to i32
    %sign3A_71 = arith.constant 0 : i32
    %sign3A_72 = arith.cmpi slt, %jit3A_59, %sign3A_71 : i32
    %sign3A_73 = arith.extui %sign3A_72 : i1 to i32
    %sign3A_74 = arith.subi %sign3A_70, %sign3A_73 : i32
    %ne3A_75 = arith.cmpi ne, %sign3A_67, %sign3A_74 : i32
    %rem3A_76 = arith.remsi %add3A_58, %jit3A_59 : i32
    %ne3A_77 = arith.constant 0 : i32
    %ne3A_78 = arith.cmpi ne, %rem3A_76, %ne3A_77 : i32
    %and3A_79 = arith.andi %ne3A_75, %ne3A_78 : i1
    %sub3A_80 = arith.constant 1 : i32
    %sub3A_81 = arith.subi %div3A_60, %sub3A_80 : i32
    %select_n3A_82 = arith.select %and3A_79, %sub3A_81, %div3A_60 : i32
    %jit3A_83 = arith.constant 96 : i32
    %eq3A_84 = arith.constant 0 : i32
    %eq3A_85 = arith.cmpi eq, %jit3A_83, %eq3A_84 : i32
    %jit3A_86 = arith.constant 1 : i32
    %select_n3A_87 = arith.select %eq3A_85, %jit3A_86, %jit3A_83 : i32
    %rem3A_88 = arith.remsi %add3A_58, %select_n3A_87 : i32
    %ne3A_89 = arith.constant 0 : i32
    %ne3A_90 = arith.cmpi ne, %rem3A_88, %ne3A_89 : i32
    %lt3A_91 = arith.constant 0 : i32
    %lt3A_92 = arith.cmpi slt, %rem3A_88, %lt3A_91 : i32
    %lt3A_93 = arith.constant 0 : i32
    %lt3A_94 = arith.cmpi slt, %select_n3A_87, %lt3A_93 : i32
    %ne3A_95 = arith.xori %lt3A_92, %lt3A_94 : i1
    %and3A_96 = arith.andi %ne3A_95, %ne3A_90 : i1
    %add3A_97 = arith.addi %rem3A_88, %select_n3A_87 : i32
    %select_n3A_98 = arith.select %and3A_96, %add3A_97, %rem3A_88 : i32
    %dma_start3A_99 = arith.constant 0 : i32
    %dma_start3A_100 = arith.constant 0 : i32
    %dma_start3A_101 = tpu.memref_slice %arg2[%select_n3A_82, %select_n3A_98, %dma_start3A_99, %dma_start3A_100] : memref<8x96x224x224xf32, #tpu.memory_space<hbm>> -> memref<1x1x224x224xf32, #tpu.memory_space<hbm>>
    %dma_start3A_102 = tpu.memref_squeeze %dma_start3A_101 : memref<1x1x224x224xf32, #tpu.memory_space<hbm>> -> memref<224x224xf32, #tpu.memory_space<hbm>>
    %dma_start3A_103 = arith.constant 0 : i32
    %dma_start3A_104 = arith.constant 0 : i32
    %dma_start3A_105 = tpu.memref_slice %arg2[%select_n3A_82, %select_n3A_98, %dma_start3A_103, %dma_start3A_104] : memref<8x96x224x224xf32, #tpu.memory_space<hbm>> -> memref<1x1x224x224xf32, #tpu.memory_space<hbm>>
    %dma_start3A_106 = tpu.memref_squeeze %dma_start3A_105 : memref<1x1x224x224xf32, #tpu.memory_space<hbm>> -> memref<224x224xf32, #tpu.memory_space<hbm>>
    tpu.enqueue_dma source(%dma_start3A_106 : memref<224x224xf32, #tpu.memory_space<hbm>>) target(%arg6 : memref<224x224xf32, #tpu.memory_space<vmem>>) target_semaphore(%arg9 : memref<!tpu.dma_semaphore, #tpu.memory_space<semaphore_mem>>)
    %scan3A = arith.constant 0 : i32
    %scan3A_107 = arith.constant 11 : i32
    %scan3A_108 = arith.addi %scan3A, %scan3A_107 : i32
    %scan3A_109 = arith.constant 1 : i32
    scf.for %scan3A_411 = %scan3A to %scan3A_108 step %scan3A_109  : i32 {
      %mul3A_412 = arith.constant 2 : i32
      %mul3A_413 = arith.muli %scan3A_411, %mul3A_412 : i32
      %add3A_414 = arith.constant 0 : i32
      %add3A_415 = arith.addi %add3A_414, %mul3A_413 : i32
      %add3A_416 = arith.addi %mul3A_2, %add3A_415 : i32
      %jit3A_417 = arith.constant 96 : i32
      %div3A_418 = arith.divsi %add3A_416, %jit3A_417 : i32
      %sign3A_419 = arith.constant 0 : i32
      %sign3A_420 = arith.cmpi sgt, %add3A_416, %sign3A_419 : i32
      %sign3A_421 = arith.extui %sign3A_420 : i1 to i32
      %sign3A_422 = arith.constant 0 : i32
      %sign3A_423 = arith.cmpi slt, %add3A_416, %sign3A_422 : i32
      %sign3A_424 = arith.extui %sign3A_423 : i1 to i32
      %sign3A_425 = arith.subi %sign3A_421, %sign3A_424 : i32
      %sign3A_426 = arith.constant 0 : i32
      %sign3A_427 = arith.cmpi sgt, %jit3A_417, %sign3A_426 : i32
      %sign3A_428 = arith.extui %sign3A_427 : i1 to i32
      %sign3A_429 = arith.constant 0 : i32
      %sign3A_430 = arith.cmpi slt, %jit3A_417, %sign3A_429 : i32
      %sign3A_431 = arith.extui %sign3A_430 : i1 to i32
      %sign3A_432 = arith.subi %sign3A_428, %sign3A_431 : i32
      %ne3A_433 = arith.cmpi ne, %sign3A_425, %sign3A_432 : i32
      %rem3A_434 = arith.remsi %add3A_416, %jit3A_417 : i32
      %ne3A_435 = arith.constant 0 : i32
      %ne3A_436 = arith.cmpi ne, %rem3A_434, %ne3A_435 : i32
      %and3A_437 = arith.andi %ne3A_433, %ne3A_436 : i1
      %sub3A_438 = arith.constant 1 : i32
      %sub3A_439 = arith.subi %div3A_418, %sub3A_438 : i32
      %select_n3A_440 = arith.select %and3A_437, %sub3A_439, %div3A_418 : i32
      %jit3A_441 = arith.constant 96 : i32
      %eq3A_442 = arith.constant 0 : i32
      %eq3A_443 = arith.cmpi eq, %jit3A_441, %eq3A_442 : i32
      %jit3A_444 = arith.constant 1 : i32
      %select_n3A_445 = arith.select %eq3A_443, %jit3A_444, %jit3A_441 : i32
      %rem3A_446 = arith.remsi %add3A_416, %select_n3A_445 : i32
      %ne3A_447 = arith.constant 0 : i32
      %ne3A_448 = arith.cmpi ne, %rem3A_446, %ne3A_447 : i32
      %lt3A_449 = arith.constant 0 : i32
      %lt3A_450 = arith.cmpi slt, %rem3A_446, %lt3A_449 : i32
      %lt3A_451 = arith.constant 0 : i32
      %lt3A_452 = arith.cmpi slt, %select_n3A_445, %lt3A_451 : i32
      %ne3A_453 = arith.xori %lt3A_450, %lt3A_452 : i1
      %and3A_454 = arith.andi %ne3A_453, %ne3A_448 : i1
      %add3A_455 = arith.addi %rem3A_446, %select_n3A_445 : i32
      %select_n3A_456 = arith.select %and3A_454, %add3A_455, %rem3A_446 : i32
      %dma_wait3A_457 = arith.constant 0 : i32
      %dma_wait3A_458 = arith.constant 0 : i32
      %dma_wait3A_459 = tpu.memref_slice %arg2[%select_n3A_440, %select_n3A_456, %dma_wait3A_457, %dma_wait3A_458] : memref<8x96x224x224xf32, #tpu.memory_space<hbm>> -> memref<1x1x224x224xf32, #tpu.memory_space<hbm>>
      %dma_wait3A_460 = tpu.memref_squeeze %dma_wait3A_459 : memref<1x1x224x224xf32, #tpu.memory_space<hbm>> -> memref<224x224xf32, #tpu.memory_space<hbm>>
      %dma_wait3A_461 = arith.constant 0 : i32
      %dma_wait3A_462 = arith.constant 0 : i32
      %dma_wait3A_463 = tpu.memref_slice %arg2[%select_n3A_440, %select_n3A_456, %dma_wait3A_461, %dma_wait3A_462] : memref<8x96x224x224xf32, #tpu.memory_space<hbm>> -> memref<1x1x224x224xf32, #tpu.memory_space<hbm>>
      %dma_wait3A_464 = tpu.memref_squeeze %dma_wait3A_463 : memref<1x1x224x224xf32, #tpu.memory_space<hbm>> -> memref<224x224xf32, #tpu.memory_space<hbm>>
      tpu.wait_dma2 semaphore(%arg8 : memref<!tpu.dma_semaphore, #tpu.memory_space<semaphore_mem>>) src(%dma_wait3A_464 : memref<224x224xf32, #tpu.memory_space<hbm>>) dst(%arg5 : memref<224x224xf32, #tpu.memory_space<vmem>>)
      %gather3A_465 = tpu.vector_load_idx %arg5[%get3A_13, %get3A_17] : memref<224x224xf32, #tpu.memory_space<vmem>>[vector<16xi32>, vector<16xi32>], vector<16xf32>,
      tpu.vector_store_idx %arg5[%get3A_5, %get3A_9], %gather3A_465 : memref<224x224xf32, #tpu.memory_space<vmem>>[vector<16xi32>, vector<16xi32>], vector<16xf32>,
      %add3A_466 = arith.addi %mul3A_2, %add3A_415 : i32
      %jit3A_467 = arith.constant 96 : i32
      %div3A_468 = arith.divsi %add3A_466, %jit3A_467 : i32
      %sign3A_469 = arith.constant 0 : i32
      %sign3A_470 = arith.cmpi sgt, %add3A_466, %sign3A_469 : i32
      %sign3A_471 = arith.extui %sign3A_470 : i1 to i32
      %sign3A_472 = arith.constant 0 : i32
      %sign3A_473 = arith.cmpi slt, %add3A_466, %sign3A_472 : i32
      %sign3A_474 = arith.extui %sign3A_473 : i1 to i32
      %sign3A_475 = arith.subi %sign3A_471, %sign3A_474 : i32
      %sign3A_476 = arith.constant 0 : i32
      %sign3A_477 = arith.cmpi sgt, %jit3A_467, %sign3A_476 : i32
      %sign3A_478 = arith.extui %sign3A_477 : i1 to i32
      %sign3A_479 = arith.constant 0 : i32
      %sign3A_480 = arith.cmpi slt, %jit3A_467, %sign3A_479 : i32
      %sign3A_481 = arith.extui %sign3A_480 : i1 to i32
      %sign3A_482 = arith.subi %sign3A_478, %sign3A_481 : i32
      %ne3A_483 = arith.cmpi ne, %sign3A_475, %sign3A_482 : i32
      %rem3A_484 = arith.remsi %add3A_466, %jit3A_467 : i32
      %ne3A_485 = arith.constant 0 : i32
      %ne3A_486 = arith.cmpi ne, %rem3A_484, %ne3A_485 : i32
      %and3A_487 = arith.andi %ne3A_483, %ne3A_486 : i1
      %sub3A_488 = arith.constant 1 : i32
      %sub3A_489 = arith.subi %div3A_468, %sub3A_488 : i32
      %select_n3A_490 = arith.select %and3A_487, %sub3A_489, %div3A_468 : i32
      %jit3A_491 = arith.constant 96 : i32
      %eq3A_492 = arith.constant 0 : i32
      %eq3A_493 = arith.cmpi eq, %jit3A_491, %eq3A_492 : i32
      %jit3A_494 = arith.constant 1 : i32
      %select_n3A_495 = arith.select %eq3A_493, %jit3A_494, %jit3A_491 : i32
      %rem3A_496 = arith.remsi %add3A_466, %select_n3A_495 : i32
      %ne3A_497 = arith.constant 0 : i32
      %ne3A_498 = arith.cmpi ne, %rem3A_496, %ne3A_497 : i32
      %lt3A_499 = arith.constant 0 : i32
      %lt3A_500 = arith.cmpi slt, %rem3A_496, %lt3A_499 : i32
      %lt3A_501 = arith.constant 0 : i32
      %lt3A_502 = arith.cmpi slt, %select_n3A_495, %lt3A_501 : i32
      %ne3A_503 = arith.xori %lt3A_500, %lt3A_502 : i1
      %and3A_504 = arith.andi %ne3A_503, %ne3A_498 : i1
      %add3A_505 = arith.addi %rem3A_496, %select_n3A_495 : i32
      %select_n3A_506 = arith.select %and3A_504, %add3A_505, %rem3A_496 : i32
      %dma_start3A_507 = arith.constant 0 : i32
      %dma_start3A_508 = arith.constant 0 : i32
      %dma_start3A_509 = tpu.memref_slice %arg4[%select_n3A_490, %select_n3A_506, %dma_start3A_507, %dma_start3A_508] : memref<8x96x224x224xf32, #tpu.memory_space<hbm>> -> memref<1x1x224x224xf32, #tpu.memory_space<hbm>>
      %dma_start3A_510 = tpu.memref_squeeze %dma_start3A_509 : memref<1x1x224x224xf32, #tpu.memory_space<hbm>> -> memref<224x224xf32, #tpu.memory_space<hbm>>
      %dma_start3A_511 = arith.constant 0 : i32
      %dma_start3A_512 = arith.constant 0 : i32
      %dma_start3A_513 = tpu.memref_slice %arg4[%select_n3A_490, %select_n3A_506, %dma_start3A_511, %dma_start3A_512] : memref<8x96x224x224xf32, #tpu.memory_space<hbm>> -> memref<1x1x224x224xf32, #tpu.memory_space<hbm>>
      %dma_start3A_514 = tpu.memref_squeeze %dma_start3A_513 : memref<1x1x224x224xf32, #tpu.memory_space<hbm>> -> memref<224x224xf32, #tpu.memory_space<hbm>>
      tpu.enqueue_dma source(%arg5 : memref<224x224xf32, #tpu.memory_space<vmem>>) target(%dma_start3A_514 : memref<224x224xf32, #tpu.memory_space<hbm>>) target_semaphore(%arg10 : memref<!tpu.dma_semaphore, #tpu.memory_space<semaphore_mem>>)
      %add3A_515 = arith.addi %mul3A_2, %add3A_415 : i32
      %jit3A_516 = arith.constant 96 : i32
      %div3A_517 = arith.divsi %add3A_515, %jit3A_516 : i32
      %sign3A_518 = arith.constant 0 : i32
      %sign3A_519 = arith.cmpi sgt, %add3A_515, %sign3A_518 : i32
      %sign3A_520 = arith.extui %sign3A_519 : i1 to i32
      %sign3A_521 = arith.constant 0 : i32
      %sign3A_522 = arith.cmpi slt, %add3A_515, %sign3A_521 : i32
      %sign3A_523 = arith.extui %sign3A_522 : i1 to i32
      %sign3A_524 = arith.subi %sign3A_520, %sign3A_523 : i32
      %sign3A_525 = arith.constant 0 : i32
      %sign3A_526 = arith.cmpi sgt, %jit3A_516, %sign3A_525 : i32
      %sign3A_527 = arith.extui %sign3A_526 : i1 to i32
      %sign3A_528 = arith.constant 0 : i32
      %sign3A_529 = arith.cmpi slt, %jit3A_516, %sign3A_528 : i32
      %sign3A_530 = arith.extui %sign3A_529 : i1 to i32
      %sign3A_531 = arith.subi %sign3A_527, %sign3A_530 : i32
      %ne3A_532 = arith.cmpi ne, %sign3A_524, %sign3A_531 : i32
      %rem3A_533 = arith.remsi %add3A_515, %jit3A_516 : i32
      %ne3A_534 = arith.constant 0 : i32
      %ne3A_535 = arith.cmpi ne, %rem3A_533, %ne3A_534 : i32
      %and3A_536 = arith.andi %ne3A_532, %ne3A_535 : i1
      %sub3A_537 = arith.constant 1 : i32
      %sub3A_538 = arith.subi %div3A_517, %sub3A_537 : i32
      %select_n3A_539 = arith.select %and3A_536, %sub3A_538, %div3A_517 : i32
      %jit3A_540 = arith.constant 96 : i32
      %eq3A_541 = arith.constant 0 : i32
      %eq3A_542 = arith.cmpi eq, %jit3A_540, %eq3A_541 : i32
      %jit3A_543 = arith.constant 1 : i32
      %select_n3A_544 = arith.select %eq3A_542, %jit3A_543, %jit3A_540 : i32
      %rem3A_545 = arith.remsi %add3A_515, %select_n3A_544 : i32
      %ne3A_546 = arith.constant 0 : i32
      %ne3A_547 = arith.cmpi ne, %rem3A_545, %ne3A_546 : i32
      %lt3A_548 = arith.constant 0 : i32
      %lt3A_549 = arith.cmpi slt, %rem3A_545, %lt3A_548 : i32
      %lt3A_550 = arith.constant 0 : i32
      %lt3A_551 = arith.cmpi slt, %select_n3A_544, %lt3A_550 : i32
      %ne3A_552 = arith.xori %lt3A_549, %lt3A_551 : i1
      %and3A_553 = arith.andi %ne3A_552, %ne3A_547 : i1
      %add3A_554 = arith.addi %rem3A_545, %select_n3A_544 : i32
      %select_n3A_555 = arith.select %and3A_553, %add3A_554, %rem3A_545 : i32
      %dma_wait3A_556 = arith.constant 0 : i32
      %dma_wait3A_557 = arith.constant 0 : i32
      %dma_wait3A_558 = tpu.memref_slice %arg4[%select_n3A_539, %select_n3A_555, %dma_wait3A_556, %dma_wait3A_557] : memref<8x96x224x224xf32, #tpu.memory_space<hbm>> -> memref<1x1x224x224xf32, #tpu.memory_space<hbm>>
      %dma_wait3A_559 = tpu.memref_squeeze %dma_wait3A_558 : memref<1x1x224x224xf32, #tpu.memory_space<hbm>> -> memref<224x224xf32, #tpu.memory_space<hbm>>
      %dma_wait3A_560 = arith.constant 0 : i32
      %dma_wait3A_561 = arith.constant 0 : i32
      %dma_wait3A_562 = tpu.memref_slice %arg4[%select_n3A_539, %select_n3A_555, %dma_wait3A_560, %dma_wait3A_561] : memref<8x96x224x224xf32, #tpu.memory_space<hbm>> -> memref<1x1x224x224xf32, #tpu.memory_space<hbm>>
      %dma_wait3A_563 = tpu.memref_squeeze %dma_wait3A_562 : memref<1x1x224x224xf32, #tpu.memory_space<hbm>> -> memref<224x224xf32, #tpu.memory_space<hbm>>
      tpu.wait_dma2 semaphore(%arg10 : memref<!tpu.dma_semaphore, #tpu.memory_space<semaphore_mem>>) src(%arg5 : memref<224x224xf32, #tpu.memory_space<vmem>>) dst(%dma_wait3A_563 : memref<224x224xf32, #tpu.memory_space<hbm>>)
      %add3A_564 = arith.constant 2 : i32
      %add3A_565 = arith.addi %add3A_415, %add3A_564 : i32
      %add3A_566 = arith.addi %mul3A_2, %add3A_565 : i32
      %jit3A_567 = arith.constant 96 : i32
      %div3A_568 = arith.divsi %add3A_566, %jit3A_567 : i32
      %sign3A_569 = arith.constant 0 : i32
      %sign3A_570 = arith.cmpi sgt, %add3A_566, %sign3A_569 : i32
      %sign3A_571 = arith.extui %sign3A_570 : i1 to i32
      %sign3A_572 = arith.constant 0 : i32
      %sign3A_573 = arith.cmpi slt, %add3A_566, %sign3A_572 : i32
      %sign3A_574 = arith.extui %sign3A_573 : i1 to i32
      %sign3A_575 = arith.subi %sign3A_571, %sign3A_574 : i32
      %sign3A_576 = arith.constant 0 : i32
      %sign3A_577 = arith.cmpi sgt, %jit3A_567, %sign3A_576 : i32
      %sign3A_578 = arith.extui %sign3A_577 : i1 to i32
      %sign3A_579 = arith.constant 0 : i32
      %sign3A_580 = arith.cmpi slt, %jit3A_567, %sign3A_579 : i32
      %sign3A_581 = arith.extui %sign3A_580 : i1 to i32
      %sign3A_582 = arith.subi %sign3A_578, %sign3A_581 : i32
      %ne3A_583 = arith.cmpi ne, %sign3A_575, %sign3A_582 : i32
      %rem3A_584 = arith.remsi %add3A_566, %jit3A_567 : i32
      %ne3A_585 = arith.constant 0 : i32
      %ne3A_586 = arith.cmpi ne, %rem3A_584, %ne3A_585 : i32
      %and3A_587 = arith.andi %ne3A_583, %ne3A_586 : i1
      %sub3A_588 = arith.constant 1 : i32
      %sub3A_589 = arith.subi %div3A_568, %sub3A_588 : i32
      %select_n3A_590 = arith.select %and3A_587, %sub3A_589, %div3A_568 : i32
      %jit3A_591 = arith.constant 96 : i32
      %eq3A_592 = arith.constant 0 : i32
      %eq3A_593 = arith.cmpi eq, %jit3A_591, %eq3A_592 : i32
      %jit3A_594 = arith.constant 1 : i32
      %select_n3A_595 = arith.select %eq3A_593, %jit3A_594, %jit3A_591 : i32
      %rem3A_596 = arith.remsi %add3A_566, %select_n3A_595 : i32
      %ne3A_597 = arith.constant 0 : i32
      %ne3A_598 = arith.cmpi ne, %rem3A_596, %ne3A_597 : i32
      %lt3A_599 = arith.constant 0 : i32
      %lt3A_600 = arith.cmpi slt, %rem3A_596, %lt3A_599 : i32
      %lt3A_601 = arith.constant 0 : i32
      %lt3A_602 = arith.cmpi slt, %select_n3A_595, %lt3A_601 : i32
      %ne3A_603 = arith.xori %lt3A_600, %lt3A_602 : i1
      %and3A_604 = arith.andi %ne3A_603, %ne3A_598 : i1
      %add3A_605 = arith.addi %rem3A_596, %select_n3A_595 : i32
      %select_n3A_606 = arith.select %and3A_604, %add3A_605, %rem3A_596 : i32
      %dma_start3A_607 = arith.constant 0 : i32
      %dma_start3A_608 = arith.constant 0 : i32
      %dma_start3A_609 = tpu.memref_slice %arg2[%select_n3A_590, %select_n3A_606, %dma_start3A_607, %dma_start3A_608] : memref<8x96x224x224xf32, #tpu.memory_space<hbm>> -> memref<1x1x224x224xf32, #tpu.memory_space<hbm>>
      %dma_start3A_610 = tpu.memref_squeeze %dma_start3A_609 : memref<1x1x224x224xf32, #tpu.memory_space<hbm>> -> memref<224x224xf32, #tpu.memory_space<hbm>>
      %dma_start3A_611 = arith.constant 0 : i32
      %dma_start3A_612 = arith.constant 0 : i32
      %dma_start3A_613 = tpu.memref_slice %arg2[%select_n3A_590, %select_n3A_606, %dma_start3A_611, %dma_start3A_612] : memref<8x96x224x224xf32, #tpu.memory_space<hbm>> -> memref<1x1x224x224xf32, #tpu.memory_space<hbm>>
      %dma_start3A_614 = tpu.memref_squeeze %dma_start3A_613 : memref<1x1x224x224xf32, #tpu.memory_space<hbm>> -> memref<224x224xf32, #tpu.memory_space<hbm>>
      tpu.enqueue_dma source(%dma_start3A_614 : memref<224x224xf32, #tpu.memory_space<hbm>>) target(%arg5 : memref<224x224xf32, #tpu.memory_space<vmem>>) target_semaphore(%arg8 : memref<!tpu.dma_semaphore, #tpu.memory_space<semaphore_mem>>)
      %add3A_615 = arith.constant 1 : i32
      %add3A_616 = arith.addi %add3A_415, %add3A_615 : i32
      %add3A_617 = arith.addi %mul3A_2, %add3A_616 : i32
      %jit3A_618 = arith.constant 96 : i32
      %div3A_619 = arith.divsi %add3A_617, %jit3A_618 : i32
      %sign3A_620 = arith.constant 0 : i32
      %sign3A_621 = arith.cmpi sgt, %add3A_617, %sign3A_620 : i32
      %sign3A_622 = arith.extui %sign3A_621 : i1 to i32
      %sign3A_623 = arith.constant 0 : i32
      %sign3A_624 = arith.cmpi slt, %add3A_617, %sign3A_623 : i32
      %sign3A_625 = arith.extui %sign3A_624 : i1 to i32
      %sign3A_626 = arith.subi %sign3A_622, %sign3A_625 : i32
      %sign3A_627 = arith.constant 0 : i32
      %sign3A_628 = arith.cmpi sgt, %jit3A_618, %sign3A_627 : i32
      %sign3A_629 = arith.extui %sign3A_628 : i1 to i32
      %sign3A_630 = arith.constant 0 : i32
      %sign3A_631 = arith.cmpi slt, %jit3A_618, %sign3A_630 : i32
      %sign3A_632 = arith.extui %sign3A_631 : i1 to i32
      %sign3A_633 = arith.subi %sign3A_629, %sign3A_632 : i32
      %ne3A_634 = arith.cmpi ne, %sign3A_626, %sign3A_633 : i32
      %rem3A_635 = arith.remsi %add3A_617, %jit3A_618 : i32
      %ne3A_636 = arith.constant 0 : i32
      %ne3A_637 = arith.cmpi ne, %rem3A_635, %ne3A_636 : i32
      %and3A_638 = arith.andi %ne3A_634, %ne3A_637 : i1
      %sub3A_639 = arith.constant 1 : i32
      %sub3A_640 = arith.subi %div3A_619, %sub3A_639 : i32
      %select_n3A_641 = arith.select %and3A_638, %sub3A_640, %div3A_619 : i32
      %jit3A_642 = arith.constant 96 : i32
      %eq3A_643 = arith.constant 0 : i32
      %eq3A_644 = arith.cmpi eq, %jit3A_642, %eq3A_643 : i32
      %jit3A_645 = arith.constant 1 : i32
      %select_n3A_646 = arith.select %eq3A_644, %jit3A_645, %jit3A_642 : i32
      %rem3A_647 = arith.remsi %add3A_617, %select_n3A_646 : i32
      %ne3A_648 = arith.constant 0 : i32
      %ne3A_649 = arith.cmpi ne, %rem3A_647, %ne3A_648 : i32
      %lt3A_650 = arith.constant 0 : i32
      %lt3A_651 = arith.cmpi slt, %rem3A_647, %lt3A_650 : i32
      %lt3A_652 = arith.constant 0 : i32
      %lt3A_653 = arith.cmpi slt, %select_n3A_646, %lt3A_652 : i32
      %ne3A_654 = arith.xori %lt3A_651, %lt3A_653 : i1
      %and3A_655 = arith.andi %ne3A_654, %ne3A_649 : i1
      %add3A_656 = arith.addi %rem3A_647, %select_n3A_646 : i32
      %select_n3A_657 = arith.select %and3A_655, %add3A_656, %rem3A_647 : i32
      %dma_wait3A_658 = arith.constant 0 : i32
      %dma_wait3A_659 = arith.constant 0 : i32
      %dma_wait3A_660 = tpu.memref_slice %arg2[%select_n3A_641, %select_n3A_657, %dma_wait3A_658, %dma_wait3A_659] : memref<8x96x224x224xf32, #tpu.memory_space<hbm>> -> memref<1x1x224x224xf32, #tpu.memory_space<hbm>>
      %dma_wait3A_661 = tpu.memref_squeeze %dma_wait3A_660 : memref<1x1x224x224xf32, #tpu.memory_space<hbm>> -> memref<224x224xf32, #tpu.memory_space<hbm>>
      %dma_wait3A_662 = arith.constant 0 : i32
      %dma_wait3A_663 = arith.constant 0 : i32
      %dma_wait3A_664 = tpu.memref_slice %arg2[%select_n3A_641, %select_n3A_657, %dma_wait3A_662, %dma_wait3A_663] : memref<8x96x224x224xf32, #tpu.memory_space<hbm>> -> memref<1x1x224x224xf32, #tpu.memory_space<hbm>>
      %dma_wait3A_665 = tpu.memref_squeeze %dma_wait3A_664 : memref<1x1x224x224xf32, #tpu.memory_space<hbm>> -> memref<224x224xf32, #tpu.memory_space<hbm>>
      tpu.wait_dma2 semaphore(%arg9 : memref<!tpu.dma_semaphore, #tpu.memory_space<semaphore_mem>>) src(%dma_wait3A_665 : memref<224x224xf32, #tpu.memory_space<hbm>>) dst(%arg6 : memref<224x224xf32, #tpu.memory_space<vmem>>)
      %gather3A_666 = tpu.vector_load_idx %arg6[%get3A_13, %get3A_17] : memref<224x224xf32, #tpu.memory_space<vmem>>[vector<16xi32>, vector<16xi32>], vector<16xf32>,
      tpu.vector_store_idx %arg6[%get3A_5, %get3A_9], %gather3A_666 : memref<224x224xf32, #tpu.memory_space<vmem>>[vector<16xi32>, vector<16xi32>], vector<16xf32>,
      %add3A_667 = arith.addi %mul3A_2, %add3A_616 : i32
      %jit3A_668 = arith.constant 96 : i32
      %div3A_669 = arith.divsi %add3A_667, %jit3A_668 : i32
      %sign3A_670 = arith.constant 0 : i32
      %sign3A_671 = arith.cmpi sgt, %add3A_667, %sign3A_670 : i32
      %sign3A_672 = arith.extui %sign3A_671 : i1 to i32
      %sign3A_673 = arith.constant 0 : i32
      %sign3A_674 = arith.cmpi slt, %add3A_667, %sign3A_673 : i32
      %sign3A_675 = arith.extui %sign3A_674 : i1 to i32
      %sign3A_676 = arith.subi %sign3A_672, %sign3A_675 : i32
      %sign3A_677 = arith.constant 0 : i32
      %sign3A_678 = arith.cmpi sgt, %jit3A_668, %sign3A_677 : i32
      %sign3A_679 = arith.extui %sign3A_678 : i1 to i32
      %sign3A_680 = arith.constant 0 : i32
      %sign3A_681 = arith.cmpi slt, %jit3A_668, %sign3A_680 : i32
      %sign3A_682 = arith.extui %sign3A_681 : i1 to i32
      %sign3A_683 = arith.subi %sign3A_679, %sign3A_682 : i32
      %ne3A_684 = arith.cmpi ne, %sign3A_676, %sign3A_683 : i32
      %rem3A_685 = arith.remsi %add3A_667, %jit3A_668 : i32
      %ne3A_686 = arith.constant 0 : i32
      %ne3A_687 = arith.cmpi ne, %rem3A_685, %ne3A_686 : i32
      %and3A_688 = arith.andi %ne3A_684, %ne3A_687 : i1
      %sub3A_689 = arith.constant 1 : i32
      %sub3A_690 = arith.subi %div3A_669, %sub3A_689 : i32
      %select_n3A_691 = arith.select %and3A_688, %sub3A_690, %div3A_669 : i32
      %jit3A_692 = arith.constant 96 : i32
      %eq3A_693 = arith.constant 0 : i32
      %eq3A_694 = arith.cmpi eq, %jit3A_692, %eq3A_693 : i32
      %jit3A_695 = arith.constant 1 : i32
      %select_n3A_696 = arith.select %eq3A_694, %jit3A_695, %jit3A_692 : i32
      %rem3A_697 = arith.remsi %add3A_667, %select_n3A_696 : i32
      %ne3A_698 = arith.constant 0 : i32
      %ne3A_699 = arith.cmpi ne, %rem3A_697, %ne3A_698 : i32
      %lt3A_700 = arith.constant 0 : i32
      %lt3A_701 = arith.cmpi slt, %rem3A_697, %lt3A_700 : i32
      %lt3A_702 = arith.constant 0 : i32
      %lt3A_703 = arith.cmpi slt, %select_n3A_696, %lt3A_702 : i32
      %ne3A_704 = arith.xori %lt3A_701, %lt3A_703 : i1
      %and3A_705 = arith.andi %ne3A_704, %ne3A_699 : i1
      %add3A_706 = arith.addi %rem3A_697, %select_n3A_696 : i32
      %select_n3A_707 = arith.select %and3A_705, %add3A_706, %rem3A_697 : i32
      %dma_start3A_708 = arith.constant 0 : i32
      %dma_start3A_709 = arith.constant 0 : i32
      %dma_start3A_710 = tpu.memref_slice %arg4[%select_n3A_691, %select_n3A_707, %dma_start3A_708, %dma_start3A_709] : memref<8x96x224x224xf32, #tpu.memory_space<hbm>> -> memref<1x1x224x224xf32, #tpu.memory_space<hbm>>
      %dma_start3A_711 = tpu.memref_squeeze %dma_start3A_710 : memref<1x1x224x224xf32, #tpu.memory_space<hbm>> -> memref<224x224xf32, #tpu.memory_space<hbm>>
      %dma_start3A_712 = arith.constant 0 : i32
      %dma_start3A_713 = arith.constant 0 : i32
      %dma_start3A_714 = tpu.memref_slice %arg4[%select_n3A_691, %select_n3A_707, %dma_start3A_712, %dma_start3A_713] : memref<8x96x224x224xf32, #tpu.memory_space<hbm>> -> memref<1x1x224x224xf32, #tpu.memory_space<hbm>>
      %dma_start3A_715 = tpu.memref_squeeze %dma_start3A_714 : memref<1x1x224x224xf32, #tpu.memory_space<hbm>> -> memref<224x224xf32, #tpu.memory_space<hbm>>
      tpu.enqueue_dma source(%arg6 : memref<224x224xf32, #tpu.memory_space<vmem>>) target(%dma_start3A_715 : memref<224x224xf32, #tpu.memory_space<hbm>>) target_semaphore(%arg11 : memref<!tpu.dma_semaphore, #tpu.memory_space<semaphore_mem>>)
      %add3A_716 = arith.constant 1 : i32
      %add3A_717 = arith.addi %add3A_415, %add3A_716 : i32
      %add3A_718 = arith.addi %mul3A_2, %add3A_717 : i32
      %jit3A_719 = arith.constant 96 : i32
      %div3A_720 = arith.divsi %add3A_718, %jit3A_719 : i32
      %sign3A_721 = arith.constant 0 : i32
      %sign3A_722 = arith.cmpi sgt, %add3A_718, %sign3A_721 : i32
      %sign3A_723 = arith.extui %sign3A_722 : i1 to i32
      %sign3A_724 = arith.constant 0 : i32
      %sign3A_725 = arith.cmpi slt, %add3A_718, %sign3A_724 : i32
      %sign3A_726 = arith.extui %sign3A_725 : i1 to i32
      %sign3A_727 = arith.subi %sign3A_723, %sign3A_726 : i32
      %sign3A_728 = arith.constant 0 : i32
      %sign3A_729 = arith.cmpi sgt, %jit3A_719, %sign3A_728 : i32
      %sign3A_730 = arith.extui %sign3A_729 : i1 to i32
      %sign3A_731 = arith.constant 0 : i32
      %sign3A_732 = arith.cmpi slt, %jit3A_719, %sign3A_731 : i32
      %sign3A_733 = arith.extui %sign3A_732 : i1 to i32
      %sign3A_734 = arith.subi %sign3A_730, %sign3A_733 : i32
      %ne3A_735 = arith.cmpi ne, %sign3A_727, %sign3A_734 : i32
      %rem3A_736 = arith.remsi %add3A_718, %jit3A_719 : i32
      %ne3A_737 = arith.constant 0 : i32
      %ne3A_738 = arith.cmpi ne, %rem3A_736, %ne3A_737 : i32
      %and3A_739 = arith.andi %ne3A_735, %ne3A_738 : i1
      %sub3A_740 = arith.constant 1 : i32
      %sub3A_741 = arith.subi %div3A_720, %sub3A_740 : i32
      %select_n3A_742 = arith.select %and3A_739, %sub3A_741, %div3A_720 : i32
      %jit3A_743 = arith.constant 96 : i32
      %eq3A_744 = arith.constant 0 : i32
      %eq3A_745 = arith.cmpi eq, %jit3A_743, %eq3A_744 : i32
      %jit3A_746 = arith.constant 1 : i32
      %select_n3A_747 = arith.select %eq3A_745, %jit3A_746, %jit3A_743 : i32
      %rem3A_748 = arith.remsi %add3A_718, %select_n3A_747 : i32
      %ne3A_749 = arith.constant 0 : i32
      %ne3A_750 = arith.cmpi ne, %rem3A_748, %ne3A_749 : i32
      %lt3A_751 = arith.constant 0 : i32
      %lt3A_752 = arith.cmpi slt, %rem3A_748, %lt3A_751 : i32
      %lt3A_753 = arith.constant 0 : i32
      %lt3A_754 = arith.cmpi slt, %select_n3A_747, %lt3A_753 : i32
      %ne3A_755 = arith.xori %lt3A_752, %lt3A_754 : i1
      %and3A_756 = arith.andi %ne3A_755, %ne3A_750 : i1
      %add3A_757 = arith.addi %rem3A_748, %select_n3A_747 : i32
      %select_n3A_758 = arith.select %and3A_756, %add3A_757, %rem3A_748 : i32
      %dma_wait3A_759 = arith.constant 0 : i32
      %dma_wait3A_760 = arith.constant 0 : i32
      %dma_wait3A_761 = tpu.memref_slice %arg4[%select_n3A_742, %select_n3A_758, %dma_wait3A_759, %dma_wait3A_760] : memref<8x96x224x224xf32, #tpu.memory_space<hbm>> -> memref<1x1x224x224xf32, #tpu.memory_space<hbm>>
      %dma_wait3A_762 = tpu.memref_squeeze %dma_wait3A_761 : memref<1x1x224x224xf32, #tpu.memory_space<hbm>> -> memref<224x224xf32, #tpu.memory_space<hbm>>
      %dma_wait3A_763 = arith.constant 0 : i32
      %dma_wait3A_764 = arith.constant 0 : i32
      %dma_wait3A_765 = tpu.memref_slice %arg4[%select_n3A_742, %select_n3A_758, %dma_wait3A_763, %dma_wait3A_764] : memref<8x96x224x224xf32, #tpu.memory_space<hbm>> -> memref<1x1x224x224xf32, #tpu.memory_space<hbm>>
      %dma_wait3A_766 = tpu.memref_squeeze %dma_wait3A_765 : memref<1x1x224x224xf32, #tpu.memory_space<hbm>> -> memref<224x224xf32, #tpu.memory_space<hbm>>
      tpu.wait_dma2 semaphore(%arg11 : memref<!tpu.dma_semaphore, #tpu.memory_space<semaphore_mem>>) src(%arg6 : memref<224x224xf32, #tpu.memory_space<vmem>>) dst(%dma_wait3A_766 : memref<224x224xf32, #tpu.memory_space<hbm>>)
      %add3A_767 = arith.constant 3 : i32
      %add3A_768 = arith.addi %add3A_415, %add3A_767 : i32
      %add3A_769 = arith.addi %mul3A_2, %add3A_768 : i32
      %jit3A_770 = arith.constant 96 : i32
      %div3A_771 = arith.divsi %add3A_769, %jit3A_770 : i32
      %sign3A_772 = arith.constant 0 : i32
      %sign3A_773 = arith.cmpi sgt, %add3A_769, %sign3A_772 : i32
      %sign3A_774 = arith.extui %sign3A_773 : i1 to i32
      %sign3A_775 = arith.constant 0 : i32
      %sign3A_776 = arith.cmpi slt, %add3A_769, %sign3A_775 : i32
      %sign3A_777 = arith.extui %sign3A_776 : i1 to i32
      %sign3A_778 = arith.subi %sign3A_774, %sign3A_777 : i32
      %sign3A_779 = arith.constant 0 : i32
      %sign3A_780 = arith.cmpi sgt, %jit3A_770, %sign3A_779 : i32
      %sign3A_781 = arith.extui %sign3A_780 : i1 to i32
      %sign3A_782 = arith.constant 0 : i32
      %sign3A_783 = arith.cmpi slt, %jit3A_770, %sign3A_782 : i32
      %sign3A_784 = arith.extui %sign3A_783 : i1 to i32
      %sign3A_785 = arith.subi %sign3A_781, %sign3A_784 : i32
      %ne3A_786 = arith.cmpi ne, %sign3A_778, %sign3A_785 : i32
      %rem3A_787 = arith.remsi %add3A_769, %jit3A_770 : i32
      %ne3A_788 = arith.constant 0 : i32
      %ne3A_789 = arith.cmpi ne, %rem3A_787, %ne3A_788 : i32
      %and3A_790 = arith.andi %ne3A_786, %ne3A_789 : i1
      %sub3A_791 = arith.constant 1 : i32
      %sub3A_792 = arith.subi %div3A_771, %sub3A_791 : i32
      %select_n3A_793 = arith.select %and3A_790, %sub3A_792, %div3A_771 : i32
      %jit3A_794 = arith.constant 96 : i32
      %eq3A_795 = arith.constant 0 : i32
      %eq3A_796 = arith.cmpi eq, %jit3A_794, %eq3A_795 : i32
      %jit3A_797 = arith.constant 1 : i32
      %select_n3A_798 = arith.select %eq3A_796, %jit3A_797, %jit3A_794 : i32
      %rem3A_799 = arith.remsi %add3A_769, %select_n3A_798 : i32
      %ne3A_800 = arith.constant 0 : i32
      %ne3A_801 = arith.cmpi ne, %rem3A_799, %ne3A_800 : i32
      %lt3A_802 = arith.constant 0 : i32
      %lt3A_803 = arith.cmpi slt, %rem3A_799, %lt3A_802 : i32
      %lt3A_804 = arith.constant 0 : i32
      %lt3A_805 = arith.cmpi slt, %select_n3A_798, %lt3A_804 : i32
      %ne3A_806 = arith.xori %lt3A_803, %lt3A_805 : i1
      %and3A_807 = arith.andi %ne3A_806, %ne3A_801 : i1
      %add3A_808 = arith.addi %rem3A_799, %select_n3A_798 : i32
      %select_n3A_809 = arith.select %and3A_807, %add3A_808, %rem3A_799 : i32
      %dma_start3A_810 = arith.constant 0 : i32
      %dma_start3A_811 = arith.constant 0 : i32
      %dma_start3A_812 = tpu.memref_slice %arg2[%select_n3A_793, %select_n3A_809, %dma_start3A_810, %dma_start3A_811] : memref<8x96x224x224xf32, #tpu.memory_space<hbm>> -> memref<1x1x224x224xf32, #tpu.memory_space<hbm>>
      %dma_start3A_813 = tpu.memref_squeeze %dma_start3A_812 : memref<1x1x224x224xf32, #tpu.memory_space<hbm>> -> memref<224x224xf32, #tpu.memory_space<hbm>>
      %dma_start3A_814 = arith.constant 0 : i32
      %dma_start3A_815 = arith.constant 0 : i32
      %dma_start3A_816 = tpu.memref_slice %arg2[%select_n3A_793, %select_n3A_809, %dma_start3A_814, %dma_start3A_815] : memref<8x96x224x224xf32, #tpu.memory_space<hbm>> -> memref<1x1x224x224xf32, #tpu.memory_space<hbm>>
      %dma_start3A_817 = tpu.memref_squeeze %dma_start3A_816 : memref<1x1x224x224xf32, #tpu.memory_space<hbm>> -> memref<224x224xf32, #tpu.memory_space<hbm>>
      tpu.enqueue_dma source(%dma_start3A_817 : memref<224x224xf32, #tpu.memory_space<hbm>>) target(%arg6 : memref<224x224xf32, #tpu.memory_space<vmem>>) target_semaphore(%arg9 : memref<!tpu.dma_semaphore, #tpu.memory_space<semaphore_mem>>)
    }
    %scan3A_110 = arith.constant 11 : i32
    %add3A_111 = arith.constant 22 : i32
    %add3A_112 = arith.addi %mul3A_2, %add3A_111 : i32
    %jit3A_113 = arith.constant 96 : i32
    %div3A_114 = arith.divsi %add3A_112, %jit3A_113 : i32
    %sign3A_115 = arith.constant 0 : i32
    %sign3A_116 = arith.cmpi sgt, %add3A_112, %sign3A_115 : i32
    %sign3A_117 = arith.extui %sign3A_116 : i1 to i32
    %sign3A_118 = arith.constant 0 : i32
    %sign3A_119 = arith.cmpi slt, %add3A_112, %sign3A_118 : i32
    %sign3A_120 = arith.extui %sign3A_119 : i1 to i32
    %sign3A_121 = arith.subi %sign3A_117, %sign3A_120 : i32
    %sign3A_122 = arith.constant 0 : i32
    %sign3A_123 = arith.cmpi sgt, %jit3A_113, %sign3A_122 : i32
    %sign3A_124 = arith.extui %sign3A_123 : i1 to i32
    %sign3A_125 = arith.constant 0 : i32
    %sign3A_126 = arith.cmpi slt, %jit3A_113, %sign3A_125 : i32
    %sign3A_127 = arith.extui %sign3A_126 : i1 to i32
    %sign3A_128 = arith.subi %sign3A_124, %sign3A_127 : i32
    %ne3A_129 = arith.cmpi ne, %sign3A_121, %sign3A_128 : i32
    %rem3A_130 = arith.remsi %add3A_112, %jit3A_113 : i32
    %ne3A_131 = arith.constant 0 : i32
    %ne3A_132 = arith.cmpi ne, %rem3A_130, %ne3A_131 : i32
    %and3A_133 = arith.andi %ne3A_129, %ne3A_132 : i1
    %sub3A_134 = arith.constant 1 : i32
    %sub3A_135 = arith.subi %div3A_114, %sub3A_134 : i32
    %select_n3A_136 = arith.select %and3A_133, %sub3A_135, %div3A_114 : i32
    %jit3A_137 = arith.constant 96 : i32
    %eq3A_138 = arith.constant 0 : i32
    %eq3A_139 = arith.cmpi eq, %jit3A_137, %eq3A_138 : i32
    %jit3A_140 = arith.constant 1 : i32
    %select_n3A_141 = arith.select %eq3A_139, %jit3A_140, %jit3A_137 : i32
    %rem3A_142 = arith.remsi %add3A_112, %select_n3A_141 : i32
    %ne3A_143 = arith.constant 0 : i32
    %ne3A_144 = arith.cmpi ne, %rem3A_142, %ne3A_143 : i32
    %lt3A_145 = arith.constant 0 : i32
    %lt3A_146 = arith.cmpi slt, %rem3A_142, %lt3A_145 : i32
    %lt3A_147 = arith.constant 0 : i32
    %lt3A_148 = arith.cmpi slt, %select_n3A_141, %lt3A_147 : i32
    %ne3A_149 = arith.xori %lt3A_146, %lt3A_148 : i1
    %and3A_150 = arith.andi %ne3A_149, %ne3A_144 : i1
    %add3A_151 = arith.addi %rem3A_142, %select_n3A_141 : i32
    %select_n3A_152 = arith.select %and3A_150, %add3A_151, %rem3A_142 : i32
    %dma_wait3A = arith.constant 0 : i32
    %dma_wait3A_153 = arith.constant 0 : i32
    %dma_wait3A_154 = tpu.memref_slice %arg2[%select_n3A_136, %select_n3A_152, %dma_wait3A, %dma_wait3A_153] : memref<8x96x224x224xf32, #tpu.memory_space<hbm>> -> memref<1x1x224x224xf32, #tpu.memory_space<hbm>>
    %dma_wait3A_155 = tpu.memref_squeeze %dma_wait3A_154 : memref<1x1x224x224xf32, #tpu.memory_space<hbm>> -> memref<224x224xf32, #tpu.memory_space<hbm>>
    %dma_wait3A_156 = arith.constant 0 : i32
    %dma_wait3A_157 = arith.constant 0 : i32
    %dma_wait3A_158 = tpu.memref_slice %arg2[%select_n3A_136, %select_n3A_152, %dma_wait3A_156, %dma_wait3A_157] : memref<8x96x224x224xf32, #tpu.memory_space<hbm>> -> memref<1x1x224x224xf32, #tpu.memory_space<hbm>>
    %dma_wait3A_159 = tpu.memref_squeeze %dma_wait3A_158 : memref<1x1x224x224xf32, #tpu.memory_space<hbm>> -> memref<224x224xf32, #tpu.memory_space<hbm>>
    tpu.wait_dma2 semaphore(%arg8 : memref<!tpu.dma_semaphore, #tpu.memory_space<semaphore_mem>>) src(%dma_wait3A_159 : memref<224x224xf32, #tpu.memory_space<hbm>>) dst(%arg5 : memref<224x224xf32, #tpu.memory_space<vmem>>)
    %gather3A = tpu.vector_load_idx %arg5[%get3A_13, %get3A_17] : memref<224x224xf32, #tpu.memory_space<vmem>>[vector<16xi32>, vector<16xi32>], vector<16xf32>,
    tpu.vector_store_idx %arg5[%get3A_5, %get3A_9], %gather3A : memref<224x224xf32, #tpu.memory_space<vmem>>[vector<16xi32>, vector<16xi32>], vector<16xf32>,
    %add3A_160 = arith.constant 22 : i32
    %add3A_161 = arith.addi %mul3A_2, %add3A_160 : i32
    %jit3A_162 = arith.constant 96 : i32
    %div3A_163 = arith.divsi %add3A_161, %jit3A_162 : i32
    %sign3A_164 = arith.constant 0 : i32
    %sign3A_165 = arith.cmpi sgt, %add3A_161, %sign3A_164 : i32
    %sign3A_166 = arith.extui %sign3A_165 : i1 to i32
    %sign3A_167 = arith.constant 0 : i32
    %sign3A_168 = arith.cmpi slt, %add3A_161, %sign3A_167 : i32
    %sign3A_169 = arith.extui %sign3A_168 : i1 to i32
    %sign3A_170 = arith.subi %sign3A_166, %sign3A_169 : i32
    %sign3A_171 = arith.constant 0 : i32
    %sign3A_172 = arith.cmpi sgt, %jit3A_162, %sign3A_171 : i32
    %sign3A_173 = arith.extui %sign3A_172 : i1 to i32
    %sign3A_174 = arith.constant 0 : i32
    %sign3A_175 = arith.cmpi slt, %jit3A_162, %sign3A_174 : i32
    %sign3A_176 = arith.extui %sign3A_175 : i1 to i32
    %sign3A_177 = arith.subi %sign3A_173, %sign3A_176 : i32
    %ne3A_178 = arith.cmpi ne, %sign3A_170, %sign3A_177 : i32
    %rem3A_179 = arith.remsi %add3A_161, %jit3A_162 : i32
    %ne3A_180 = arith.constant 0 : i32
    %ne3A_181 = arith.cmpi ne, %rem3A_179, %ne3A_180 : i32
    %and3A_182 = arith.andi %ne3A_178, %ne3A_181 : i1
    %sub3A_183 = arith.constant 1 : i32
    %sub3A_184 = arith.subi %div3A_163, %sub3A_183 : i32
    %select_n3A_185 = arith.select %and3A_182, %sub3A_184, %div3A_163 : i32
    %jit3A_186 = arith.constant 96 : i32
    %eq3A_187 = arith.constant 0 : i32
    %eq3A_188 = arith.cmpi eq, %jit3A_186, %eq3A_187 : i32
    %jit3A_189 = arith.constant 1 : i32
    %select_n3A_190 = arith.select %eq3A_188, %jit3A_189, %jit3A_186 : i32
    %rem3A_191 = arith.remsi %add3A_161, %select_n3A_190 : i32
    %ne3A_192 = arith.constant 0 : i32
    %ne3A_193 = arith.cmpi ne, %rem3A_191, %ne3A_192 : i32
    %lt3A_194 = arith.constant 0 : i32
    %lt3A_195 = arith.cmpi slt, %rem3A_191, %lt3A_194 : i32
    %lt3A_196 = arith.constant 0 : i32
    %lt3A_197 = arith.cmpi slt, %select_n3A_190, %lt3A_196 : i32
    %ne3A_198 = arith.xori %lt3A_195, %lt3A_197 : i1
    %and3A_199 = arith.andi %ne3A_198, %ne3A_193 : i1
    %add3A_200 = arith.addi %rem3A_191, %select_n3A_190 : i32
    %select_n3A_201 = arith.select %and3A_199, %add3A_200, %rem3A_191 : i32
    %dma_start3A_202 = arith.constant 0 : i32
    %dma_start3A_203 = arith.constant 0 : i32
    %dma_start3A_204 = tpu.memref_slice %arg4[%select_n3A_185, %select_n3A_201, %dma_start3A_202, %dma_start3A_203] : memref<8x96x224x224xf32, #tpu.memory_space<hbm>> -> memref<1x1x224x224xf32, #tpu.memory_space<hbm>>
    %dma_start3A_205 = tpu.memref_squeeze %dma_start3A_204 : memref<1x1x224x224xf32, #tpu.memory_space<hbm>> -> memref<224x224xf32, #tpu.memory_space<hbm>>
    %dma_start3A_206 = arith.constant 0 : i32
    %dma_start3A_207 = arith.constant 0 : i32
    %dma_start3A_208 = tpu.memref_slice %arg4[%select_n3A_185, %select_n3A_201, %dma_start3A_206, %dma_start3A_207] : memref<8x96x224x224xf32, #tpu.memory_space<hbm>> -> memref<1x1x224x224xf32, #tpu.memory_space<hbm>>
    %dma_start3A_209 = tpu.memref_squeeze %dma_start3A_208 : memref<1x1x224x224xf32, #tpu.memory_space<hbm>> -> memref<224x224xf32, #tpu.memory_space<hbm>>
    tpu.enqueue_dma source(%arg5 : memref<224x224xf32, #tpu.memory_space<vmem>>) target(%dma_start3A_209 : memref<224x224xf32, #tpu.memory_space<hbm>>) target_semaphore(%arg10 : memref<!tpu.dma_semaphore, #tpu.memory_space<semaphore_mem>>)
    %add3A_210 = arith.constant 22 : i32
    %add3A_211 = arith.addi %mul3A_2, %add3A_210 : i32
    %jit3A_212 = arith.constant 96 : i32
    %div3A_213 = arith.divsi %add3A_211, %jit3A_212 : i32
    %sign3A_214 = arith.constant 0 : i32
    %sign3A_215 = arith.cmpi sgt, %add3A_211, %sign3A_214 : i32
    %sign3A_216 = arith.extui %sign3A_215 : i1 to i32
    %sign3A_217 = arith.constant 0 : i32
    %sign3A_218 = arith.cmpi slt, %add3A_211, %sign3A_217 : i32
    %sign3A_219 = arith.extui %sign3A_218 : i1 to i32
    %sign3A_220 = arith.subi %sign3A_216, %sign3A_219 : i32
    %sign3A_221 = arith.constant 0 : i32
    %sign3A_222 = arith.cmpi sgt, %jit3A_212, %sign3A_221 : i32
    %sign3A_223 = arith.extui %sign3A_222 : i1 to i32
    %sign3A_224 = arith.constant 0 : i32
    %sign3A_225 = arith.cmpi slt, %jit3A_212, %sign3A_224 : i32
    %sign3A_226 = arith.extui %sign3A_225 : i1 to i32
    %sign3A_227 = arith.subi %sign3A_223, %sign3A_226 : i32
    %ne3A_228 = arith.cmpi ne, %sign3A_220, %sign3A_227 : i32
    %rem3A_229 = arith.remsi %add3A_211, %jit3A_212 : i32
    %ne3A_230 = arith.constant 0 : i32
    %ne3A_231 = arith.cmpi ne, %rem3A_229, %ne3A_230 : i32
    %and3A_232 = arith.andi %ne3A_228, %ne3A_231 : i1
    %sub3A_233 = arith.constant 1 : i32
    %sub3A_234 = arith.subi %div3A_213, %sub3A_233 : i32
    %select_n3A_235 = arith.select %and3A_232, %sub3A_234, %div3A_213 : i32
    %jit3A_236 = arith.constant 96 : i32
    %eq3A_237 = arith.constant 0 : i32
    %eq3A_238 = arith.cmpi eq, %jit3A_236, %eq3A_237 : i32
    %jit3A_239 = arith.constant 1 : i32
    %select_n3A_240 = arith.select %eq3A_238, %jit3A_239, %jit3A_236 : i32
    %rem3A_241 = arith.remsi %add3A_211, %select_n3A_240 : i32
    %ne3A_242 = arith.constant 0 : i32
    %ne3A_243 = arith.cmpi ne, %rem3A_241, %ne3A_242 : i32
    %lt3A_244 = arith.constant 0 : i32
    %lt3A_245 = arith.cmpi slt, %rem3A_241, %lt3A_244 : i32
    %lt3A_246 = arith.constant 0 : i32
    %lt3A_247 = arith.cmpi slt, %select_n3A_240, %lt3A_246 : i32
    %ne3A_248 = arith.xori %lt3A_245, %lt3A_247 : i1
    %and3A_249 = arith.andi %ne3A_248, %ne3A_243 : i1
    %add3A_250 = arith.addi %rem3A_241, %select_n3A_240 : i32
    %select_n3A_251 = arith.select %and3A_249, %add3A_250, %rem3A_241 : i32
    %dma_wait3A_252 = arith.constant 0 : i32
    %dma_wait3A_253 = arith.constant 0 : i32
    %dma_wait3A_254 = tpu.memref_slice %arg4[%select_n3A_235, %select_n3A_251, %dma_wait3A_252, %dma_wait3A_253] : memref<8x96x224x224xf32, #tpu.memory_space<hbm>> -> memref<1x1x224x224xf32, #tpu.memory_space<hbm>>
    %dma_wait3A_255 = tpu.memref_squeeze %dma_wait3A_254 : memref<1x1x224x224xf32, #tpu.memory_space<hbm>> -> memref<224x224xf32, #tpu.memory_space<hbm>>
    %dma_wait3A_256 = arith.constant 0 : i32
    %dma_wait3A_257 = arith.constant 0 : i32
    %dma_wait3A_258 = tpu.memref_slice %arg4[%select_n3A_235, %select_n3A_251, %dma_wait3A_256, %dma_wait3A_257] : memref<8x96x224x224xf32, #tpu.memory_space<hbm>> -> memref<1x1x224x224xf32, #tpu.memory_space<hbm>>
    %dma_wait3A_259 = tpu.memref_squeeze %dma_wait3A_258 : memref<1x1x224x224xf32, #tpu.memory_space<hbm>> -> memref<224x224xf32, #tpu.memory_space<hbm>>
    tpu.wait_dma2 semaphore(%arg10 : memref<!tpu.dma_semaphore, #tpu.memory_space<semaphore_mem>>) src(%arg5 : memref<224x224xf32, #tpu.memory_space<vmem>>) dst(%dma_wait3A_259 : memref<224x224xf32, #tpu.memory_space<hbm>>)
    %add3A_260 = arith.constant 23 : i32
    %add3A_261 = arith.addi %mul3A_2, %add3A_260 : i32
    %jit3A_262 = arith.constant 96 : i32
    %div3A_263 = arith.divsi %add3A_261, %jit3A_262 : i32
    %sign3A_264 = arith.constant 0 : i32
    %sign3A_265 = arith.cmpi sgt, %add3A_261, %sign3A_264 : i32
    %sign3A_266 = arith.extui %sign3A_265 : i1 to i32
    %sign3A_267 = arith.constant 0 : i32
    %sign3A_268 = arith.cmpi slt, %add3A_261, %sign3A_267 : i32
    %sign3A_269 = arith.extui %sign3A_268 : i1 to i32
    %sign3A_270 = arith.subi %sign3A_266, %sign3A_269 : i32
    %sign3A_271 = arith.constant 0 : i32
    %sign3A_272 = arith.cmpi sgt, %jit3A_262, %sign3A_271 : i32
    %sign3A_273 = arith.extui %sign3A_272 : i1 to i32
    %sign3A_274 = arith.constant 0 : i32
    %sign3A_275 = arith.cmpi slt, %jit3A_262, %sign3A_274 : i32
    %sign3A_276 = arith.extui %sign3A_275 : i1 to i32
    %sign3A_277 = arith.subi %sign3A_273, %sign3A_276 : i32
    %ne3A_278 = arith.cmpi ne, %sign3A_270, %sign3A_277 : i32
    %rem3A_279 = arith.remsi %add3A_261, %jit3A_262 : i32
    %ne3A_280 = arith.constant 0 : i32
    %ne3A_281 = arith.cmpi ne, %rem3A_279, %ne3A_280 : i32
    %and3A_282 = arith.andi %ne3A_278, %ne3A_281 : i1
    %sub3A_283 = arith.constant 1 : i32
    %sub3A_284 = arith.subi %div3A_263, %sub3A_283 : i32
    %select_n3A_285 = arith.select %and3A_282, %sub3A_284, %div3A_263 : i32
    %jit3A_286 = arith.constant 96 : i32
    %eq3A_287 = arith.constant 0 : i32
    %eq3A_288 = arith.cmpi eq, %jit3A_286, %eq3A_287 : i32
    %jit3A_289 = arith.constant 1 : i32
    %select_n3A_290 = arith.select %eq3A_288, %jit3A_289, %jit3A_286 : i32
    %rem3A_291 = arith.remsi %add3A_261, %select_n3A_290 : i32
    %ne3A_292 = arith.constant 0 : i32
    %ne3A_293 = arith.cmpi ne, %rem3A_291, %ne3A_292 : i32
    %lt3A_294 = arith.constant 0 : i32
    %lt3A_295 = arith.cmpi slt, %rem3A_291, %lt3A_294 : i32
    %lt3A_296 = arith.constant 0 : i32
    %lt3A_297 = arith.cmpi slt, %select_n3A_290, %lt3A_296 : i32
    %ne3A_298 = arith.xori %lt3A_295, %lt3A_297 : i1
    %and3A_299 = arith.andi %ne3A_298, %ne3A_293 : i1
    %add3A_300 = arith.addi %rem3A_291, %select_n3A_290 : i32
    %select_n3A_301 = arith.select %and3A_299, %add3A_300, %rem3A_291 : i32
    %dma_wait3A_302 = arith.constant 0 : i32
    %dma_wait3A_303 = arith.constant 0 : i32
    %dma_wait3A_304 = tpu.memref_slice %arg2[%select_n3A_285, %select_n3A_301, %dma_wait3A_302, %dma_wait3A_303] : memref<8x96x224x224xf32, #tpu.memory_space<hbm>> -> memref<1x1x224x224xf32, #tpu.memory_space<hbm>>
    %dma_wait3A_305 = tpu.memref_squeeze %dma_wait3A_304 : memref<1x1x224x224xf32, #tpu.memory_space<hbm>> -> memref<224x224xf32, #tpu.memory_space<hbm>>
    %dma_wait3A_306 = arith.constant 0 : i32
    %dma_wait3A_307 = arith.constant 0 : i32
    %dma_wait3A_308 = tpu.memref_slice %arg2[%select_n3A_285, %select_n3A_301, %dma_wait3A_306, %dma_wait3A_307] : memref<8x96x224x224xf32, #tpu.memory_space<hbm>> -> memref<1x1x224x224xf32, #tpu.memory_space<hbm>>
    %dma_wait3A_309 = tpu.memref_squeeze %dma_wait3A_308 : memref<1x1x224x224xf32, #tpu.memory_space<hbm>> -> memref<224x224xf32, #tpu.memory_space<hbm>>
    tpu.wait_dma2 semaphore(%arg9 : memref<!tpu.dma_semaphore, #tpu.memory_space<semaphore_mem>>) src(%dma_wait3A_309 : memref<224x224xf32, #tpu.memory_space<hbm>>) dst(%arg6 : memref<224x224xf32, #tpu.memory_space<vmem>>)
    %gather3A_310 = tpu.vector_load_idx %arg6[%get3A_13, %get3A_17] : memref<224x224xf32, #tpu.memory_space<vmem>>[vector<16xi32>, vector<16xi32>], vector<16xf32>,
    tpu.vector_store_idx %arg6[%get3A_5, %get3A_9], %gather3A_310 : memref<224x224xf32, #tpu.memory_space<vmem>>[vector<16xi32>, vector<16xi32>], vector<16xf32>,
    %add3A_311 = arith.constant 23 : i32
    %add3A_312 = arith.addi %mul3A_2, %add3A_311 : i32
    %jit3A_313 = arith.constant 96 : i32
    %div3A_314 = arith.divsi %add3A_312, %jit3A_313 : i32
    %sign3A_315 = arith.constant 0 : i32
    %sign3A_316 = arith.cmpi sgt, %add3A_312, %sign3A_315 : i32
    %sign3A_317 = arith.extui %sign3A_316 : i1 to i32
    %sign3A_318 = arith.constant 0 : i32
    %sign3A_319 = arith.cmpi slt, %add3A_312, %sign3A_318 : i32
    %sign3A_320 = arith.extui %sign3A_319 : i1 to i32
    %sign3A_321 = arith.subi %sign3A_317, %sign3A_320 : i32
    %sign3A_322 = arith.constant 0 : i32
    %sign3A_323 = arith.cmpi sgt, %jit3A_313, %sign3A_322 : i32
    %sign3A_324 = arith.extui %sign3A_323 : i1 to i32
    %sign3A_325 = arith.constant 0 : i32
    %sign3A_326 = arith.cmpi slt, %jit3A_313, %sign3A_325 : i32
    %sign3A_327 = arith.extui %sign3A_326 : i1 to i32
    %sign3A_328 = arith.subi %sign3A_324, %sign3A_327 : i32
    %ne3A_329 = arith.cmpi ne, %sign3A_321, %sign3A_328 : i32
    %rem3A_330 = arith.remsi %add3A_312, %jit3A_313 : i32
    %ne3A_331 = arith.constant 0 : i32
    %ne3A_332 = arith.cmpi ne, %rem3A_330, %ne3A_331 : i32
    %and3A_333 = arith.andi %ne3A_329, %ne3A_332 : i1
    %sub3A_334 = arith.constant 1 : i32
    %sub3A_335 = arith.subi %div3A_314, %sub3A_334 : i32
    %select_n3A_336 = arith.select %and3A_333, %sub3A_335, %div3A_314 : i32
    %jit3A_337 = arith.constant 96 : i32
    %eq3A_338 = arith.constant 0 : i32
    %eq3A_339 = arith.cmpi eq, %jit3A_337, %eq3A_338 : i32
    %jit3A_340 = arith.constant 1 : i32
    %select_n3A_341 = arith.select %eq3A_339, %jit3A_340, %jit3A_337 : i32
    %rem3A_342 = arith.remsi %add3A_312, %select_n3A_341 : i32
    %ne3A_343 = arith.constant 0 : i32
    %ne3A_344 = arith.cmpi ne, %rem3A_342, %ne3A_343 : i32
    %lt3A_345 = arith.constant 0 : i32
    %lt3A_346 = arith.cmpi slt, %rem3A_342, %lt3A_345 : i32
    %lt3A_347 = arith.constant 0 : i32
    %lt3A_348 = arith.cmpi slt, %select_n3A_341, %lt3A_347 : i32
    %ne3A_349 = arith.xori %lt3A_346, %lt3A_348 : i1
    %and3A_350 = arith.andi %ne3A_349, %ne3A_344 : i1
    %add3A_351 = arith.addi %rem3A_342, %select_n3A_341 : i32
    %select_n3A_352 = arith.select %and3A_350, %add3A_351, %rem3A_342 : i32
    %dma_start3A_353 = arith.constant 0 : i32
    %dma_start3A_354 = arith.constant 0 : i32
    %dma_start3A_355 = tpu.memref_slice %arg4[%select_n3A_336, %select_n3A_352, %dma_start3A_353, %dma_start3A_354] : memref<8x96x224x224xf32, #tpu.memory_space<hbm>> -> memref<1x1x224x224xf32, #tpu.memory_space<hbm>>
    %dma_start3A_356 = tpu.memref_squeeze %dma_start3A_355 : memref<1x1x224x224xf32, #tpu.memory_space<hbm>> -> memref<224x224xf32, #tpu.memory_space<hbm>>
    %dma_start3A_357 = arith.constant 0 : i32
    %dma_start3A_358 = arith.constant 0 : i32
    %dma_start3A_359 = tpu.memref_slice %arg4[%select_n3A_336, %select_n3A_352, %dma_start3A_357, %dma_start3A_358] : memref<8x96x224x224xf32, #tpu.memory_space<hbm>> -> memref<1x1x224x224xf32, #tpu.memory_space<hbm>>
    %dma_start3A_360 = tpu.memref_squeeze %dma_start3A_359 : memref<1x1x224x224xf32, #tpu.memory_space<hbm>> -> memref<224x224xf32, #tpu.memory_space<hbm>>
    tpu.enqueue_dma source(%arg6 : memref<224x224xf32, #tpu.memory_space<vmem>>) target(%dma_start3A_360 : memref<224x224xf32, #tpu.memory_space<hbm>>) target_semaphore(%arg11 : memref<!tpu.dma_semaphore, #tpu.memory_space<semaphore_mem>>)
    %add3A_361 = arith.constant 23 : i32
    %add3A_362 = arith.addi %mul3A_2, %add3A_361 : i32
    %jit3A_363 = arith.constant 96 : i32
    %div3A_364 = arith.divsi %add3A_362, %jit3A_363 : i32
    %sign3A_365 = arith.constant 0 : i32
    %sign3A_366 = arith.cmpi sgt, %add3A_362, %sign3A_365 : i32
    %sign3A_367 = arith.extui %sign3A_366 : i1 to i32
    %sign3A_368 = arith.constant 0 : i32
    %sign3A_369 = arith.cmpi slt, %add3A_362, %sign3A_368 : i32
    %sign3A_370 = arith.extui %sign3A_369 : i1 to i32
    %sign3A_371 = arith.subi %sign3A_367, %sign3A_370 : i32
    %sign3A_372 = arith.constant 0 : i32
    %sign3A_373 = arith.cmpi sgt, %jit3A_363, %sign3A_372 : i32
    %sign3A_374 = arith.extui %sign3A_373 : i1 to i32
    %sign3A_375 = arith.constant 0 : i32
    %sign3A_376 = arith.cmpi slt, %jit3A_363, %sign3A_375 : i32
    %sign3A_377 = arith.extui %sign3A_376 : i1 to i32
    %sign3A_378 = arith.subi %sign3A_374, %sign3A_377 : i32
    %ne3A_379 = arith.cmpi ne, %sign3A_371, %sign3A_378 : i32
    %rem3A_380 = arith.remsi %add3A_362, %jit3A_363 : i32
    %ne3A_381 = arith.constant 0 : i32
    %ne3A_382 = arith.cmpi ne, %rem3A_380, %ne3A_381 : i32
    %and3A_383 = arith.andi %ne3A_379, %ne3A_382 : i1
    %sub3A_384 = arith.constant 1 : i32
    %sub3A_385 = arith.subi %div3A_364, %sub3A_384 : i32
    %select_n3A_386 = arith.select %and3A_383, %sub3A_385, %div3A_364 : i32
    %jit3A_387 = arith.constant 96 : i32
    %eq3A_388 = arith.constant 0 : i32
    %eq3A_389 = arith.cmpi eq, %jit3A_387, %eq3A_388 : i32
    %jit3A_390 = arith.constant 1 : i32
    %select_n3A_391 = arith.select %eq3A_389, %jit3A_390, %jit3A_387 : i32
    %rem3A_392 = arith.remsi %add3A_362, %select_n3A_391 : i32
    %ne3A_393 = arith.constant 0 : i32
    %ne3A_394 = arith.cmpi ne, %rem3A_392, %ne3A_393 : i32
    %lt3A_395 = arith.constant 0 : i32
    %lt3A_396 = arith.cmpi slt, %rem3A_392, %lt3A_395 : i32
    %lt3A_397 = arith.constant 0 : i32
    %lt3A_398 = arith.cmpi slt, %select_n3A_391, %lt3A_397 : i32
    %ne3A_399 = arith.xori %lt3A_396, %lt3A_398 : i1
    %and3A_400 = arith.andi %ne3A_399, %ne3A_394 : i1
    %add3A_401 = arith.addi %rem3A_392, %select_n3A_391 : i32
    %select_n3A_402 = arith.select %and3A_400, %add3A_401, %rem3A_392 : i32
    %dma_wait3A_403 = arith.constant 0 : i32
    %dma_wait3A_404 = arith.constant 0 : i32
    %dma_wait3A_405 = tpu.memref_slice %arg4[%select_n3A_386, %select_n3A_402, %dma_wait3A_403, %dma_wait3A_404] : memref<8x96x224x224xf32, #tpu.memory_space<hbm>> -> memref<1x1x224x224xf32, #tpu.memory_space<hbm>>
    %dma_wait3A_406 = tpu.memref_squeeze %dma_wait3A_405 : memref<1x1x224x224xf32, #tpu.memory_space<hbm>> -> memref<224x224xf32, #tpu.memory_space<hbm>>
    %dma_wait3A_407 = arith.constant 0 : i32
    %dma_wait3A_408 = arith.constant 0 : i32
    %dma_wait3A_409 = tpu.memref_slice %arg4[%select_n3A_386, %select_n3A_402, %dma_wait3A_407, %dma_wait3A_408] : memref<8x96x224x224xf32, #tpu.memory_space<hbm>> -> memref<1x1x224x224xf32, #tpu.memory_space<hbm>>
    %dma_wait3A_410 = tpu.memref_squeeze %dma_wait3A_409 : memref<1x1x224x224xf32, #tpu.memory_space<hbm>> -> memref<224x224xf32, #tpu.memory_space<hbm>>
    tpu.wait_dma2 semaphore(%arg11 : memref<!tpu.dma_semaphore, #tpu.memory_space<semaphore_mem>>) src(%arg6 : memref<224x224xf32, #tpu.memory_space<vmem>>) dst(%dma_wait3A_410 : memref<224x224xf32, #tpu.memory_space<hbm>>)
    return
  }
}

</mosaic_0001>

<sc_bundles>
// kernel: kernel.3.cloned.1.call-start
scs
__scs_entry_jumppad:
0x0: {  	(pc) =	sbr.rel $0x88, $3  }
0x1: {  	(tag) =	ssettag $0x0;
	lr =	simm.s32 $0x1  }
0x2: {  	[smem:$0x3FA0] =	sst lr;
	_ =	strace $0xD0000000  }
0x3: {  	_ = 	snop  }
0x4: {  	_ = 	snop  }
0x5: {  	_ = 	snop  }
0x6: {  	_ = 	snop  }
0x7: {  	_ = 	snop  }
__scs_overlays_trampoline_lowered:
0x8: {  	[smem:$0x3FAF] =	sst s0  }
0x9: {  	[smem:$0x3FB0] =	sst s1  }
0xa: {  	[smem:$0x3FB1] =	sst s2  }
0xb: {  	[smem:$0x3FB2] =	sst s3  }
0xc: {  	[smem:$0x3FB3] =	sst s4  }
0xd: {  	[smem:$0x3FB4] =	sst s5  }
0xe: {  	[smem:$0x3FB5] =	sst s6  }
0xf: {  	[smem:$0x3FB6] =	sst s7  }
0x10: {  	[smem:$0x3FB7] =	sst s8  }
0x11: {  	[smem:$0x3FB8] =	sst s9;
	s0 =	simm.s32 @!p0 $0x0  }
0x12: {  	s1 =	sld [smem:$0x3F9E];
	s0 =	simm.s32 @p0 $0x1  }
0x13: {  	[smem:$0x3FB9] =	sst s0;
	s0 =	simm.s32 @!p1 $0x0  }
0x14: {  	s2 =	sld [smem:$0x3F9D];
	s0 =	simm.s32 @p1 $0x1  }
0x15: {  	[smem:$0x3FBA] =	sst s0;
	s0 =	simm.s32 @!p2 $0x0  }
0x16: {  	s3 =	sld [smem:$0x3FDB];
	s0 =	simm.s32 @p2 $0x1  }
0x17: {  	s4 =	simm.s32 $0x1BF5;
	[smem:$0x3FBC] =	sst s0  }
0x18: {  	s0 =	sld [smem:$0x3F9F];
	_ =	swait.ge [sflag:s4], $0x0  }
0x19: {  	s7 =	sld [smem:$0x3FA0]  }
0x1a: {  	s8 =	sadd.s32 $0xFFFFE003, lr  }
0x1b: {  	s9 =	sadd.s32 $0xFFFFFEF7, lr;
	s5 =	simm.s32 $0xFFFFFFFF;
	p2 =	slt.u32 s8, $0xFFFFF086  }
0x1c: {  	p1 =	slt.u32 s9, $0xF7A;
	s5 =	simm.s32 @!p2 $0x0  }
0x1d: {  	s5 =	simm.s32 @p1 $0x1;
	p0 =	seq.s32 s7, s2  }
0x1e: {  	s7 =	smul.u32 @!p0 $0xF7A, s2;
	p2 =	seq.s32 @!p0 s5, $0x0  }
0x1f: {  	s9 =	smul.u32 $0xF7A, s1;
	s8 =	simm.s32 @!p0 $0x1BF5;
	p2 =	por !p2, p0  }
0x20: {  	[sflag:s8] =	ssyncset.s32 @!p0 $0xFFFFF086;
	s6 =	sadd.s32 @!p0 s3, s7;
	s7 =	simm.s32 @!p0 $0x108  }
0x21: {  	s3 =	sadd.s32 s3, s9;
	s6 =	sadd.s32 @!p0 $0x88, s6;
	s7 =	simm.s32 @p2 $0x1082  }
0x22: {  	[simem:s7], [sflag:s8] =	dma.local @!p0 [hbm:s6], $0xF7A  }
0x23: {  	s9 =	sor.u32 $0xD0000000, s2;
	s6 =	simm.s32 $0x108;
	_ =	swait.ge @!p0 [sflag:s8], $0x0  }
0x24: {  	s3 =	sadd.s32 $0x88, s3;
	s6 =	simm.s32 @!p1 $0x1082;
	[sflag:s4] =	ssyncset.s32 $0xFFFFF086  }
0x25: {  	[simem:s6], [sflag:s4] =	dma.local [hbm:s3], $0xF7A  }
0x26: {  	[smem:$0x3FA0] =	sst s1;
	(tag) =	ssettag s2;
	_ =	strace s9  }
0x27: {  	s1 =	sld [smem:$0x3FB0]  }
0x28: {  	s2 =	sld [smem:$0x3FB1]  }
0x29: {  	s4 =	sld [smem:$0x3FB3]  }
0x2a: {  	p0 =	seq.s32 s5, $0x0;
	s5 =	sld [smem:$0x3FB4]  }
0x2b: {  	s6 =	sld [smem:$0x3FB5]  }
0x2c: {  	s7 =	sld [smem:$0x3FB6]  }
0x2d: {  	s3 =	simm.s32 $0x108;
	s8 =	sld [smem:$0x3FB7]  }
0x2e: {  	s3 =	simm.s32 @!p0 $0x1082;
	s9 =	sld [smem:$0x3FB8]  }
0x2f: {  	lr =	sadd.s32 s0, s3;
	s0 =	sld [smem:$0x3FAF]  }
0x30: {  	s3 =	sld [smem:$0x3FB2]  }
0x31: {  	[smem:$0x3FBB] =	sst s10  }
0x32: {  	s10 =	sld [smem:$0x3FB9];
	_ =	sdelay $0x3  }
0x33: {  	p0 =	seq.s32 s10, $0x1;
	s10 =	sld [smem:$0x3FBB];
	_ =	sdelay $0x3  }
0x34: {  	[smem:$0x3FBB] =	sst s10  }
0x35: {  	s10 =	sld [smem:$0x3FBA];
	_ =	sdelay $0x3  }
0x36: {  	p1 =	seq.s32 s10, $0x1;
	s10 =	sld [smem:$0x3FBB];
	_ =	sdelay $0x3  }
0x37: {  	[smem:$0x3FBB] =	sst s10  }
0x38: {  	s10 =	sld [smem:$0x3FBC]  }
0x39: {  	_ = 	snop;
	(pc) =	sbr.ind lr, $3  }
0x3a: {  	_ = 	snop  }
0x3b: {  	_ = 	snop  }
0x3c: {  	p2 =	seq.s32 s10, $0x1;
	s10 =	sld [smem:$0x3FBB]  }
0x3d: {  	_ =	shalt  }
0x3e: {  	_ =	shalt  }
0x3f: {  	_ =	shalt  }
0x40: {  	_ =	shalt  }
0x41: {  	_ =	shalt  }
0x42: {  	_ =	shalt  }
0x43: {  	_ =	shalt  }
0x44: {  	_ =	shalt  }
0x45: {  	_ =	shalt  }
0x46: {  	_ =	shalt  }
0x47: {  	_ =	shalt  }
0x48: {  	_ =	shalt  }
0x49: {  	_ =	shalt  }
0x4a: {  	_ =	shalt  }
0x4b: {  	_ =	shalt  }
0x4c: {  	_ =	shalt  }
0x4d: {  	_ =	shalt  }
0x4e: {  	_ =	shalt  }
0x4f: {  	_ =	shalt  }
0x50: {  	_ =	shalt  }
0x51: {  	_ =	shalt  }
0x52: {  	_ =	shalt  }
0x53: {  	_ =	shalt  }
0x54: {  	_ =	shalt  }
0x55: {  	_ =	shalt  }
0x56: {  	_ =	shalt  }
0x57: {  	_ =	shalt  }
0x58: {  	_ =	shalt  }
0x59: {  	_ =	shalt  }
0x5a: {  	_ =	shalt  }
0x5b: {  	_ =	shalt  }
0x5c: {  	_ =	shalt  }
0x5d: {  	_ =	shalt  }
0x5e: {  	_ =	shalt  }
0x5f: {  	_ =	shalt  }
0x60: {  	_ =	shalt  }
0x61: {  	_ =	shalt  }
0x62: {  	_ =	shalt  }
0x63: {  	_ =	shalt  }
0x64: {  	_ =	shalt  }
0x65: {  	_ =	shalt  }
0x66: {  	_ =	shalt  }
0x67: {  	_ =	shalt  }
0x68: {  	_ =	shalt  }
0x69: {  	_ =	shalt  }
0x6a: {  	_ =	shalt  }
0x6b: {  	_ =	shalt  }
0x6c: {  	_ =	shalt  }
0x6d: {  	_ =	shalt  }
0x6e: {  	_ =	shalt  }
0x6f: {  	_ =	shalt  }
0x70: {  	_ =	shalt  }
0x71: {  	_ =	shalt  }
0x72: {  	_ =	shalt  }
0x73: {  	_ =	shalt  }
0x74: {  	_ =	shalt  }
0x75: {  	_ =	shalt  }
0x76: {  	_ =	shalt  }
0x77: {  	_ =	shalt  }
0x78: {  	_ =	shalt  }
0x79: {  	_ =	shalt  }
0x7a: {  	_ =	shalt  }
0x7b: {  	_ =	shalt  }
0x7c: {  	_ =	shalt  }
0x7d: {  	_ =	shalt  }
0x7e: {  	_ =	shalt  }
0x7f: {  	_ =	shalt  }
0x80: {  	_ =	shalt  }
0x81: {  	_ =	shalt  }
0x82: {  	_ =	shalt  }
0x83: {  	_ =	shalt  }
0x84: {  	_ =	shalt  }
0x85: {  	_ =	shalt  }
0x86: {  	_ =	shalt  }
0x87: {  	_ =	shalt  }
.Lfunc_end0:
.L_simem_size_0:
called_computation_lowered:
.L_overlay_start_0:
0x88: {  	s2 =	sld [smem:$0x3FD9]  }
0x89: {  	s3 =	sld [smem:$0x3FFE];
	_ =	sdelay $0x1  }
0x8a: {  	s1 =	srdreg.scid  }
0x8b: {  	s0 =	sand.u32 $0x1, s1  }
0x8c: {  	s14 =	sshll.u32 s0, $0xA;
	s2 =	sadd.s32 s3, s2  }
0x8d: {  	s2 =	sadd.s32 s2, s14  }
0x8e: {  	[smem:$0x3FC7] =	sst s2  }
0x8f: {  	_ = 	snop  }
0x90: {  	s2 =	sld [smem:$0x3FD0];
	_ =	sdelay $0x2  }
0x91: {  	s4 =	simm.s32 $0xA;
	s5 =	simm.s32 $0x10;
	s15 =	sld [smem:$0x3FC9]  }
0x92: {  	[smem:s5], [sflag:s4] =	dma.local [hbm:s2], $0x1  }
0x93: {  	_ =	swait.eq [sflag:s4], $0x1  }
0x94: {  	[sflag:s4] =	ssyncset.done $0x0  }
0x95: {  	[sflag:s4] =	ssyncadd.s32 $0xFFFFFFFF  }
0x96: {  	s16 =	sld [smem:$0x10];
	(tm) =	ssettm $0x1  }
0x97: {  	s17 =	sld [smem:$0x3FFB];
	_ =	sdelay $0x3  }
0x98: {  	_ =	strace s17  }
0x99: {  	s4 =	sld [smem:$0x3FFC];
	_ =	sdelay $0x3  }
0x9a: {  	_ =	strace s4  }
0x9b: {  	s4 =	sld [smem:$0x3FFD];
	_ =	sdelay $0x3  }
0x9c: {  	_ =	strace s4  }
0x9d: {  	_ =	strace $0x8FFFFFFF  }
0x9e: {  	s18 =	sld [smem:$0x3FDB];
	_ =	sdelay $0x1  }
0x9f: {  	s19 =	simm.s32 $_scs_section_size  }
0xa0: {  	s6 =	simm.s32 $_size__tile_overlayer_lowered;
	s7 =	simm.s32 $_tile_overlayer_lowered  }
0xa1: {  	s22 =	simm.s32 $0x1BFF;
	s21 =	sshll.u32 s7, $0x1;
	s4 =	sadd.s32 s19, s18  }
0xa2: {  	s8 =	simm.s32 $0x0;
	s20 =	sshll.u32 s6, $0x1;
	s6 =	sadd.s32 s21, s4  }
0xa3: {  	[timem:s8], [sflag:s22] =	dma.local [hbm:s6], s20  }
0xa4: {  	_ =	swait.ge [sflag:s22], s20  }
0xa5: {  	s5 =	ssub.s32 $0x0, s20;
	[sflag:s22] =	ssyncset.done $0x0  }
0xa6: {  	[sflag:s22] =	ssyncadd.s32 s5;
	_ =	sdelay $0x1  }
0xa7: {  	s23 =	simm.s32 $0x1B8B  }
0xa8: {  	_ =	swait.ge [sflag:s23], $0x1  }
0xa9: {  	[sflag:s23] =	ssyncset.done $0x0  }
0xaa: {  	s25 =	simm.s32 $0x1B8E;
	s24 =	sld [smem:$0x3FFE];
	[sflag:s23] =	ssyncadd.s32 $0xFFFFFFFF  }
0xab: {  	s26 =	simm.s32 $execute0_lowered;
	[smem:$0x3FD2] =	sst s25  }
0xac: {  	s6 =	sshll.u32 s26, $0x1;
	_ =	strace $0x80000046;
	[dreg:$0x1] =	wrdreg $0xFFFFFFFF  }
0xad: {  	s28 =	simm.s32 $_size_execute0_lowered;
	s4 =	sadd.s32 s4, s6;
	[dreg:$0x0] =	wrdreg $0x0  }
0xae: {  	s6 =	sshll.u32 s28, $0x1;
	[dreg:$0x2] =	wrdreg s4  }
0xaf: {  	[dreg:$0x3] =	wrdreg s6  }
0xb0: {  	[dreg:$0x4] =	wrdreg $0xC0  }
0xb1: {  	_ =	task [dreg:s8], $0x5FFFF  }
0xb2: {  	[dreg:$0x1] =	wrdreg $0xFFFFFFFF  }
0xb3: {  	[dreg:$0x0] =	wrdreg $0x60  }
0xb4: {  	[dreg:$0x2] =	wrdreg s15  }
0xb5: {  	[dreg:$0x3] =	wrdreg s24  }
0xb6: {  	[dreg:$0x4] =	wrdreg s16  }
0xb7: {  	[dreg:$0x5] =	wrdreg $0x9  }
0xb8: {  	_ =	task.clear_ibuf [dreg:s8], $0x6FFFF;
	_ =	strace $0x90000046  }
0xb9: {  	s29 =	simm.s32 $0x9;
	_ =	strace $0x80000048  }
0xba: {  	_ =	swait.ge [sflag:s29], $0x1  }
0xbb: {  	[sflag:s29] =	ssyncadd.s32 $0xFFFFFFFF  }
0xbc: {  	_ =	strace $0x90000048  }
0xbd: {  	_ =	sfence  }
0xbe: {  	s30 =	sld [smem:$0x0];
	_ =	sdelay $0x2  }
0xbf: {  	s31 =	sshll.u32 s1, $0xD;
	s1 =	sshrl.u32 s1, $0x2  }
0xc0: {  	s3 =	sand.u32 $0x4000, s31;
	s1 =	sadd.s32 s1, s30  }
0xc1: {  	s0 =	sor.u32 s3, s0;
	s1 =	sshll.u32 s1, $0x11  }
0xc2: {  	s0 =	sor.u32 s1, s0  }
0xc3: {  	s0 =	sadd.s32 $0x8F2B, s0  }
0xc4: {  	[sflag:s0] =	ssyncadd.remote.s32 $0x1  }
0xc5: {  	_ =	sfence.sel $0xFFFF  }
0xc6: {  	[dreg:$0x0] =	wrdreg $0xFFFFFFFF;
	(pc) =	sbr.abs _section_cstart, $3  }
0xc7: {  	[dreg:$0x1] =	wrdreg $0xFFFFFFFF  }
0xc8: {  	_ =	task.clear_ibuf [dreg:s8], $0x2FFFF;
	_ =	strace $0x9FFFFFFF  }
0xc9: {  	(tm) =	ssettm $0x7FFFFFFF  }
tec
execute0_lowered:
.L_overlay_start_1:
0x0: {  	(tag) =	ssettag $0x1  }
0x1: {  	s1 =	srdreg.scid;
	s0 =	stileid.u32  }
0x2: {  	s9 =	rddreg [dreg:$0x0];
	s22 =	smul.u32 $0x54000, s0  }
0x3: {  	s3 =	rddreg [dreg:$0x1];
	s8 =	sshrl.u32 s0, $0x1;
	s25 =	smul.u32 $0x2A0000, s0  }
0x4: {  	s7 =	sand.u32 $0x1, s1;
	s28 =	sshll.u32 s0, $0x1;
	s8 =	smul.u32 $0x540000, s8  }
0x5: {  	s11 =	rddreg [dreg:$0x2];
	s2 =	sor.u32 s7, s28;
	s24 =	smul.u32 $0x2A000, s7  }
0x6: {  	s1 =	rddreg [dreg:$0x3];
	s4 =	smul.u32 $0x18, s2  }
0x7: {  	s3 =	sadd.s32 $0x800, s3;
	s30 =	ssub.s32 $0x2, s7;
	s5 =	smul.u32 $0x4008, s2  }
0x8: {  	s26 =	smul.u32 $0x150000, s7;
	s2 =	simm.s32 $0x0;
	s6 =	sor.u32 $0x1, s4  }
0x9: {  	s16 =	sshrl.u32 s30, $0x1;
	s12 =	sshrl.u32 s5, $0x10;
	s10 =	smul.u32 $0x2AB, s6  }
0xa: {  	s5 =	sadd.s32 $0x3AB2, s5;
	s14 =	sadd.s32 $0x17, s4;
	s12 =	smul.u32 $0x60, s12  }
0xb: {  	[smem:$0x7FF] =	sst s2;
	s5 =	sshrl.u32 s5, $0x10;
	s29 =	smul.u32 $0x2AB, s14  }
0xc: {  	s28 =	sadd.s32 s22, s11;
	_ =	strace $0x80000047;
	s13 =	smul.u32 $0x60, s5  }
0xd: {  	s17 =	smul.u32 $0x540000, s5;
	s10 =	sshrl.u32 s10, $0x10;
	s12 =	ssub.s32 s4, s12  }
0xe: {  	s10 =	smul.u32 $0x60, s10;
	s12 =	sand.u32 $0xFFF8, s12;
	s4 =	ssub.s32 s4, s13  }
0xf: {  	s13 =	ssub.s32 s30, s16;
	s30 =	sadd.s32 s26, s25;
	s12 =	smul.u32 $0xE000, s12  }
0x10: {  	s4 =	sadd.s32 $0x16, s4;
	s6 =	ssub.s32 s6, s10;
	s10 =	sshrl.u32 s29, $0x10  }
0x11: {  	s16 =	simm.s32 $0x3;
	s4 =	sand.u32 $0xFFFE, s4;
	s15 =	smul.u32 $0x60, s10  }
0x12: {  	s29 =	sadd.s32 s24, s28;
	s6 =	sand.u32 $0xFFF9, s6;
	s31 =	smul.u32 $0xE000, s4  }
0x13: {  	s19 =	sadd.s32 s8, s12;
	s10 =	smul.u32 $0x540000, s10;
	s12 =	simm.s32 $0x1C000  }
0x14: {  	s6 =	smul.u32 $0xE000, s6;
	s5 =	sshrl.u32 s19, $0x3;
	s19 =	simm.s32 $0x0  }
0x15: {  	s18 =	ssub.s32 s14, s15;
	s23 =	sadd.s32 s31, s17;
	s31 =	sshrl.u32 s30, $0x3  }
0x16: {  	s14 =	simm.s32 $0xE000;
	s15 =	simm.s32 $0x1;
	s4 =	sand.u32 $0xFFFF, s18  }
0x17: {  	s17 =	simm.s32 $0x2;
	s6 =	sadd.s32 s8, s6;
	s20 =	smul.u32 $0xE000, s4  }
0x18: {  	s18 =	simm.s32 $0x4;
	s4 =	sadd.s32 s9, s5;
	s21 =	sshrl.u32 s6, $0x3  }
0x19: {  	s6 =	sshrl.u32 s23, $0x3;
	s5 =	sadd.s32 s9, s21;
	s8 =	sadd.s32 s20, s10  }
0x1a: {  	s6 =	sadd.s32 s11, s6;
	s9 =	sadd.s32 s22, s9;
	s8 =	sshrl.u32 s8, $0x3  }
0x1b: {  	s9 =	sadd.s32 s24, s9;
	s10 =	sadd.s32 $0x1C00, s29;
	s7 =	sadd.s32 s11, s8  }
0x1c: {  	s8 =	smax.u32 s13, $0x1;
	s11 =	sadd.s32 s31, s11;
	s13 =	simm.s32 $0x5  }
.LBB2_1:
0x1d: {  	[tilespmem:s12], [sflag:$0x5] =	stream.linear.gather [hbm4b:s3+s2], $0x200, $0x38;
	[tilespmem:$0x1C200] =	vst v63  }
0x1e: {  	_ =	swait.ge [sflag:s13], $0x200  }
0x1f: {  	[sflag:s13] =	ssyncset.done $0x0  }
0x20: {  	[sflag:s13] =	ssyncadd.s32 $0xFFFFFE00  }
0x21: {  	v0 =	vld [tilespmem:$0x1C100]  }
0x22: {  	v1 =	vld [tilespmem:$0x1C180];
	_ =	sdelay $0x3  }
0x23: {  	v2 =	vld [tilespmem:$0x1C000]  }
0x24: {  	v3 =	vld [tilespmem:$0x1C080];
	v4 =	vshll.u32 v0, $0x8;
	v5 =	vshll.u32 v1, $0x3  }
0x25: {  	v0 =	vshll.u32 v0, $0x7;
	v4 =	vand.u32 $0xFFFFF800, v4;
	v5 =	vand.u32 $0xFFFFFC00, v5  }
0x26: {  	v0 =	vand.u32 $0x380, v0;
	v4 =	vadd.s32 v4, v5  }
0x27: {  	[tilespmem:s2], [sflag:$0x1] =	stream.linear.gather [hbm4b:s4+s2], $0xE000, $0x38;
	v1 =	vand.u32 $0x7F, v1;
	v0 =	vor.u32 v0, v4;
	[tilespmem:$0x1C200] =	vst v63  }
0x28: {  	v0 =	vor.u32 v1, v0  }
0x29: {  	[tilespmem:s14], [sflag:$0x2] =	stream.linear.gather [hbm4b:s5+s2], $0xE000, $0x38;
	v63 =	vshll.u32 v3, $0x3;
	v1 =	vshll.u32 v2, $0x8;
	[tilespmem:$0x1C200] =	vst v63  }
0x2a: {  	_ =	swait.ge [sflag:s15], $0xE000;
	v4 =	vand.u32 $0xFFFFFC00, v63;
	v2 =	vshll.u32 v2, $0x7;
	v1 =	vand.u32 $0xFFFFF800, v1  }
0x2b: {  	[sflag:s15] =	ssyncset.done $0x0;
	v2 =	vand.u32 $0x380, v2;
	v1 =	vadd.s32 v1, v4  }
0x2c: {  	v3 =	vand.u32 $0x7F, v3;
	[sflag:s15] =	ssyncadd.s32 $0xFFFF2000;
	v1 =	vor.u32 v2, v1  }
0x2d: {  	v1 =	vor.u32 v3, v1;
	v2 =	vld.idx.msk [tilespmem:v0+s2+$0x0], $0xffff;
	_ =	sdelay $0x4  }
0x2e: {  	s20 =	sadd.s32 $0x0, s11;
	[tilespmem:v1+s2+$0x0] =	vst.idx.msk $0xffff, v2  }
0x2f: {  	[hbm4b:s20+s2] =	stream.linear.scatter [tilespmem:s2], [sflag:$0x3], $0xE000, $0x38;
	[tilespmem:$0x1C200] =	vst v63  }
0x30: {  	_ =	swait.ge [sflag:s16], $0xE000  }
0x31: {  	s21 =	sadd.s32 $0x0, s9;
	[sflag:s16] =	ssyncset.done $0x0  }
0x32: {  	s30 =	sadd.s32 $0x3800, s21;
	[sflag:s16] =	ssyncadd.s32 $0xFFFF2000  }
0x33: {  	[tilespmem:s2], [sflag:$0x1] =	stream.linear.gather [hbm4b:s30+s2], $0xE000, $0x38;
	[tilespmem:$0x1C200] =	vst v63  }
0x34: {  	_ =	swait.ge [sflag:s17], $0xE000  }
0x35: {  	[sflag:s17] =	ssyncset.done $0x0  }
0x36: {  	[sflag:s17] =	ssyncadd.s32 $0xFFFF2000  }
0x37: {  	v2 =	vld.idx.msk [tilespmem:v0+s14+$0x0], $0xffff;
	_ =	sdelay $0x4  }
0x38: {  	s31 =	sadd.s32 $0x0, s10;
	[tilespmem:v1+s14+$0x0] =	vst.idx.msk $0xffff, v2  }
0x39: {  	[hbm4b:s31+s2] =	stream.linear.scatter [tilespmem:s14], [sflag:$0x4], $0xE000, $0x38;
	[tilespmem:$0x1C200] =	vst v63  }
0x3a: {  	_ =	swait.ge [sflag:s18], $0xE000  }
0x3b: {  	[sflag:s18] =	ssyncset.done $0x0  }
0x3c: {  	s21 =	sadd.s32 $0x5400, s21;
	s20 =	simm.s32 $0x3800;
	[sflag:s18] =	ssyncadd.s32 $0xFFFF2000  }
.LBB2_2:
0x3d: {  	[tilespmem:s14], [sflag:$0x2] =	stream.linear.gather [hbm4b:s21+s2], $0xE000, $0x38;
	[tilespmem:$0x1C200] =	vst v63  }
0x3e: {  	s21 =	smov.u32 s20  }
0x3f: {  	p0 =	sne.s32 s20, $0x23000;
	s20 =	sadd.s32 $0x3800, s20;
	_ =	swait.ge [sflag:s15], $0xE000  }
0x40: {  	[sflag:s15] =	ssyncset.done $0x0  }
0x41: {  	[sflag:s15] =	ssyncadd.s32 $0xFFFF2000  }
0x42: {  	v2 =	vld.idx.msk [tilespmem:v0+s2+$0x0], $0xffff;
	_ =	sdelay $0x5  }
0x43: {  	s22 =	sadd.s32 s21, s11;
	[tilespmem:v1+s2+$0x0] =	vst.idx.msk $0xffff, v2  }
0x44: {  	[hbm4b:s22+s2] =	stream.linear.scatter [tilespmem:s2], [sflag:$0x3], $0xE000, $0x38;
	[tilespmem:$0x1C200] =	vst v63  }
0x45: {  	_ =	swait.ge [sflag:s16], $0xE000  }
0x46: {  	s22 =	sadd.s32 s21, s9;
	[sflag:s16] =	ssyncset.done $0x0  }
0x47: {  	s23 =	sadd.s32 $0x3800, s22;
	[sflag:s16] =	ssyncadd.s32 $0xFFFF2000  }
0x48: {  	[tilespmem:s2], [sflag:$0x1] =	stream.linear.gather [hbm4b:s23+s2], $0xE000, $0x38;
	[tilespmem:$0x1C200] =	vst v63  }
0x49: {  	_ =	swait.ge [sflag:s17], $0xE000  }
0x4a: {  	[sflag:s17] =	ssyncset.done $0x0  }
0x4b: {  	[sflag:s17] =	ssyncadd.s32 $0xFFFF2000  }
0x4c: {  	v2 =	vld.idx.msk [tilespmem:v0+s14+$0x0], $0xffff;
	_ =	sdelay $0x5  }
.Ltmp0:
0x4d: {  	s21 =	sadd.s32 s21, s10;
	[tilespmem:v1+s14+$0x0] =	vst.idx.msk $0xffff, v2;
	(pc) =	sbr.rel @p0 .LBB2_2-.Ltmp0, $4  }
0x4e: {  	[hbm4b:s21+s2] =	stream.linear.scatter [tilespmem:s14], [sflag:$0x4], $0xE000, $0x38;
	[tilespmem:$0x1C200] =	vst v63  }
0x4f: {  	_ =	swait.ge [sflag:s18], $0xE000  }
0x50: {  	[sflag:s18] =	ssyncset.done $0x0  }
0x51: {  	s21 =	sadd.s32 $0x5400, s22;
	[sflag:s18] =	ssyncadd.s32 $0xFFFF2000  }
0x52: {  	[tilespmem:s14], [sflag:$0x2] =	stream.linear.gather [hbm4b:s21+s2], $0xE000, $0x38;
	[tilespmem:$0x1C200] =	vst v63  }
0x53: {  	_ =	swait.ge [sflag:s15], $0xE000  }
0x54: {  	[sflag:s15] =	ssyncset.done $0x0  }
0x55: {  	[sflag:s15] =	ssyncadd.s32 $0xFFFF2000  }
0x56: {  	v2 =	vld.idx.msk [tilespmem:v0+s2+$0x0], $0xffff;
	_ =	sdelay $0x4  }
0x57: {  	[tilespmem:v1+s2+$0x0] =	vst.idx.msk $0xffff, v2  }
0x58: {  	[hbm4b:s6+s2] =	stream.linear.scatter [tilespmem:s2], [sflag:$0x3], $0xE000, $0x38;
	[tilespmem:$0x1C200] =	vst v63  }
0x59: {  	_ =	swait.ge [sflag:s16], $0xE000  }
0x5a: {  	[sflag:s16] =	ssyncset.done $0x0  }
0x5b: {  	[sflag:s16] =	ssyncadd.s32 $0xFFFF2000  }
0x5c: {  	_ =	swait.ge [sflag:s17], $0xE000  }
0x5d: {  	[sflag:s17] =	ssyncset.done $0x0  }
0x5e: {  	[sflag:s17] =	ssyncadd.s32 $0xFFFF2000  }
0x5f: {  	v63 =	vld.idx.msk [tilespmem:v0+s14+$0x0], $0xffff;
	_ =	sdelay $0x2  }
0x60: {  	s19 =	sadd.s32 $0x1, s19  }
0x61: {  	p0 =	sne.s32 s19, s8  }
.Ltmp1:
0x62: {  	[tilespmem:v1+s14+$0x0] =	vst.idx.msk $0xffff, v63;
	(pc) =	sbr.rel @p0 .LBB2_1-.Ltmp1, $4  }
0x63: {  	[hbm4b:s7+s2] =	stream.linear.scatter [tilespmem:s14], [sflag:$0x4], $0xE000, $0x38;
	[tilespmem:$0x1C200] =	vst v63  }
0x64: {  	_ =	swait.ge [sflag:s18], $0xE000  }
0x65: {  	[sflag:s18] =	ssyncset.done $0x0  }
0x66: {  	[sflag:s18] =	ssyncadd.s32 $0xFFFF2000  }
0x67: {  	_ =	sfence.sel $0x180000  }
0x68: {  	[bflag:$0x0] =	sbarrier.arrive $0xFFFF  }
0x69: {  	p0 =	sne.s32 s0, $0x0;
	_ =	strace $0x90000047  }
0x6a: {  	s0 =	sadd.s32 @!p0 $0x100000, s1;
	[bflag:$0x2] =	sbarrier.arrive $0xFFFF  }
0x6b: {  	[sflag:s0] =	ssyncadd.tile.s32 @!p0 $0x1;
	_ =	shalt  }
.Lfunc_end2:
_tile_overlayer_lowered:
.L_overlay_start_2:
0x6c: {  	(tag) =	ssettag $0x2  }
0x6d: {  	s0 =	rddreg [dreg:$0x0];
	s2 =	stileid.u32  }
0x6e: {  	s1 =	rddreg [dreg:$0x1];
	p0 =	sne.s32 s2, $0x0  }
0x6f: {  	s3 =	rddreg [dreg:$0x2];
	[bflag:$0x3] =	sbarrier.arrive $0xFFFF;
	s2 =	simm.s32 @!p0 $0x1C05  }
0x70: {  	[timem:s3], [sflag:s2] =	dma.local @!p0 [hbm:s0], s1  }
0x71: {  	s0 =	simm.s32 @!p0 $0x5  }
0x72: {  	_ =	swait.ge @!p0 [sflag:s0], s1  }
0x73: {  	s1 =	ssub.s32 @!p0 $0x0, s1;
	[sflag:s0] =	ssyncset.done @!p0 $0x0  }
0x74: {  	[sflag:s0] =	ssyncadd.s32 @!p0 s1  }
0x75: {  	[bflag:$0x3] =	sbarrier.arrive $0xFFFF  }
0x76: {  	_ =	shalt  }

</sc_bundles>
